<compile_context>
chip_gen: v7x
topology: tpu7x:2x2x1
jax: 0.10.2.dev20260603
libtpu: 0.0.44.dev20260713+nightly
codegen_flags: <defaults>
</compile_context>

<pallas_src>
import functools

import jax
import jax.numpy as jnp
from jax import lax
from jax.experimental import pallas as pl
from jax.experimental.pallas import tpu as pltpu
from jax.experimental.pallas import tpu_sc as plsc

N = 10000
E = 320000
D_IN = 128
WIDTH = 128
D_OUT = 64
LS = 8.0

NP = 10240
NC = 2
NS = 16
NW = NC * NS
L = 16

ES = E // NW
CH1 = 2000
CH2 = 8000

_SC_MESH = dict(core_axis_name="c", subcore_axis_name="s", num_cores=NC,
                num_subcores=NS)
_SC_PARAMS = pltpu.CompilerParams(needs_layout_passes=False)


def _zero_ref(ref, nwords):
    zero = jnp.zeros((L,), jnp.float32)

    def body(i, _):
        ref[pl.ds(i * L, L)] = zero
        return 0

    lax.fori_loop(0, nwords // L, body, 0)


CHA = 2000


def _sc1_body(bl0, bl1, bl2, bl3, src_hbm, dst_hbm, ew_hbm, degp,
              b0a, b1a, b2a, b3a, sa, da, b0b, b1b, b2b, b3b, sb, db,
              ew_v, do_v, di_v):
    cid = lax.axis_index("c")
    sid = lax.axis_index("s")
    wid = sid * NC + cid
    base = wid * ES
    bls = (bl0, bl1, bl2, bl3)

    def load(k, bufs):
        off = base + k * CHA
        for bl, bv in zip(bls, bufs[:4]):
            pltpu.sync_copy(bl.at[pl.ds(off, CHA)], bv)
        pltpu.sync_copy(src_hbm.at[pl.ds(off, CHA)], bufs[4])
        pltpu.sync_copy(dst_hbm.at[pl.ds(off, CHA)], bufs[5])

    def compute(k, bufs):
        b0_v, b1_v, b2_v, b3_v, src_v, dst_v = bufs

        @plsc.parallel_loop(0, CHA // L, unroll=8)
        def vec(j):
            sl = pl.ds(j * L, L)
            b0 = b0_v[sl]
            b1 = b1_v[sl]
            b2 = b2_v[sl]
            b3 = b3_v[sl]
            r2 = b0 * b0 + b1 * b1 + b2 * b2 + b3 * b3
            ew = jnp.exp(r2 * (-1.0 / (LS * LS)))
            ew_v[sl] = ew
            s = src_v[sl]
            d = dst_v[sl]
            plsc.addupdate_scatter(do_v, [s], ew)
            plsc.addupdate_scatter(di_v, [d], ew)

        pltpu.sync_copy(ew_v, ew_hbm.at[pl.ds(base + k * CHA, CHA)])

    bufs_a = (b0a, b1a, b2a, b3a, sa, da)
    nch = ES // CHA

    _zero_ref(do_v, NP)
    _zero_ref(di_v, NP)

    def outer(k, _):
        load(k, bufs_a)
        compute(k, bufs_a)
        return 0

    lax.fori_loop(0, nch, outer, 0)
    pltpu.sync_copy(do_v, degp.at[pl.ds(wid * NP, NP)])
    pltpu.sync_copy(di_v, degp.at[pl.ds((NW + wid) * NP, NP)])


def _sc1(bl0, bl1, bl2, bl3, src, dst):
    ebuf = lambda dt: pltpu.VMEM((CHA,), dt)
    return pl.kernel(
        _sc1_body,
        out_type=(
            jax.ShapeDtypeStruct((E,), jnp.float32),
            jax.ShapeDtypeStruct((2 * NW * NP,), jnp.float32),
        ),
        mesh=plsc.VectorSubcoreMesh(**_SC_MESH),
        compiler_params=_SC_PARAMS,
        scratch_types=[
            ebuf(jnp.float32), ebuf(jnp.float32), ebuf(jnp.float32),
            ebuf(jnp.float32), ebuf(jnp.int32), ebuf(jnp.int32),
            ebuf(jnp.float32), ebuf(jnp.float32), ebuf(jnp.float32),
            ebuf(jnp.float32), ebuf(jnp.int32), ebuf(jnp.int32),
            ebuf(jnp.float32),
            pltpu.VMEM((NP,), jnp.float32),
            pltpu.VMEM((NP,), jnp.float32),
        ],
    )(bl0, bl1, bl2, bl3, src, dst)


def _sc2_body(z1t, src_hbm, dst_hbm, ew_hbm, aggt, z1_v, agg_v, src_a, dst_a,
              ew_a, src_b, dst_b, ew_b, sem_a, sem_b):
    cid = lax.axis_index("c")
    sid = lax.axis_index("s")
    wid = sid * NC + cid
    nch = E // CH2

    def start(k, sv, dv, wv, sem):
        off = k * CH2
        pltpu.async_copy(src_hbm.at[pl.ds(off, CH2)], sv, sem)
        pltpu.async_copy(dst_hbm.at[pl.ds(off, CH2)], dv, sem)
        pltpu.async_copy(ew_hbm.at[pl.ds(off, CH2)], wv, sem)

    def wait(sv, dv, wv, sem):
        pltpu.make_async_copy(src_hbm.at[pl.ds(0, CH2)], sv, sem).wait()
        pltpu.make_async_copy(dst_hbm.at[pl.ds(0, CH2)], dv, sem).wait()
        pltpu.make_async_copy(ew_hbm.at[pl.ds(0, CH2)], wv, sem).wait()

    def compute(sv, dv, wv):
        @plsc.parallel_loop(0, CH2 // L, unroll=8)
        def vec(j):
            sl = pl.ds(j * L, L)
            s = sv[sl]
            d = dv[sl]
            w = wv[sl]
            for p in range(2):
                gp = plsc.load_gather(z1_v, [s + p * NP])
                ev = plsc.bitcast(gp << 16, jnp.float32)
                od = plsc.bitcast(gp & jnp.int32(-65536), jnp.float32)
                plsc.addupdate_scatter(agg_v, [d + (2 * p) * NP], ev * w)
                plsc.addupdate_scatter(agg_v, [d + (2 * p + 1) * NP], od * w)

    start(0, src_a, dst_a, ew_a, sem_a)
    pltpu.sync_copy(z1t.at[pl.ds(wid * 2 * NP, 2 * NP)], z1_v)
    _zero_ref(agg_v, 4 * NP)

    def outer(g, _):
        c0 = 2 * g
        start(c0 + 1, src_b, dst_b, ew_b, sem_b)
        wait(src_a, dst_a, ew_a, sem_a)
        compute(src_a, dst_a, ew_a)

        @pl.when(c0 + 2 < nch)
        def _():
            start(c0 + 2, src_a, dst_a, ew_a, sem_a)

        wait(src_b, dst_b, ew_b, sem_b)
        compute(src_b, dst_b, ew_b)
        return 0

    lax.fori_loop(0, nch // 2, outer, 0)
    pltpu.sync_copy(agg_v, aggt.at[pl.ds(wid * 4 * NP, 4 * NP)])


def _sc2(z1t, src, dst, ew):
    return pl.kernel(
        _sc2_body,
        out_type=jax.ShapeDtypeStruct((WIDTH * NP,), jnp.float32),
        mesh=plsc.VectorSubcoreMesh(**_SC_MESH),
        compiler_params=_SC_PARAMS,
        scratch_types=[
            pltpu.VMEM((2 * NP,), jnp.int32),
            pltpu.VMEM((4 * NP,), jnp.float32),
            pltpu.VMEM((CH2,), jnp.int32),
            pltpu.VMEM((CH2,), jnp.int32),
            pltpu.VMEM((CH2,), jnp.float32),
            pltpu.VMEM((CH2,), jnp.int32),
            pltpu.VMEM((CH2,), jnp.int32),
            pltpu.VMEM((CH2,), jnp.float32),
            pltpu.SemaphoreType.DMA,
            pltpu.SemaphoreType.DMA,
        ],
    )(z1t, src, dst, ew)


def _sc3_body(nin_hbm, src_hbm, dst_hbm, ew_hbm, qparts, nin_v, src_v, dst_v,
              ew_v, q_v):
    cid = lax.axis_index("c")
    sid = lax.axis_index("s")
    wid = sid * NC + cid
    base = wid * ES

    pltpu.sync_copy(nin_hbm, nin_v)
    _zero_ref(q_v, NP)

    def chunk(k, _):
        off = base + k * CH1
        pltpu.sync_copy(src_hbm.at[pl.ds(off, CH1)], src_v)
        pltpu.sync_copy(dst_hbm.at[pl.ds(off, CH1)], dst_v)
        pltpu.sync_copy(ew_hbm.at[pl.ds(off, CH1)], ew_v)

        @plsc.parallel_loop(0, CH1 // L, unroll=8)
        def vec(j):
            sl = pl.ds(j * L, L)
            s = src_v[sl]
            d = dst_v[sl]
            w = ew_v[sl]
            ni = plsc.load_gather(nin_v, [d])
            plsc.addupdate_scatter(q_v, [s], w * ni)

        return 0

    lax.fori_loop(0, ES // CH1, chunk, 0)
    pltpu.sync_copy(q_v, qparts.at[pl.ds(wid * NP, NP)])


def _sc3(nin, src, dst, ew):
    return pl.kernel(
        _sc3_body,
        out_type=jax.ShapeDtypeStruct((NW * NP,), jnp.float32),
        mesh=plsc.VectorSubcoreMesh(**_SC_MESH),
        compiler_params=_SC_PARAMS,
        scratch_types=[
            pltpu.VMEM((NP,), jnp.float32),
            pltpu.VMEM((CH1,), jnp.int32),
            pltpu.VMEM((CH1,), jnp.int32),
            pltpu.VMEM((CH1,), jnp.float32),
            pltpu.VMEM((NP,), jnp.float32),
        ],
    )(nin, src, dst, ew)


BN = 1024


def _tc1_body(x_ref, w_ref, b_ref, h_ref):
    h_ref[...] = (
        lax.dot_general(x_ref[...], w_ref[...], (((1,), (0,)), ((), ())),
                        preferred_element_type=jnp.float32)
        + b_ref[...]
    )


def _tc1(xp, W_emb, b_emb):
    return pl.pallas_call(
        _tc1_body,
        grid=(NP // BN,),
        in_specs=[
            pl.BlockSpec((BN, D_IN), lambda i: (i, 0)),
            pl.BlockSpec((D_IN, WIDTH), lambda i: (0, 0)),
            pl.BlockSpec((1, WIDTH), lambda i: (0, 0)),
        ],
        out_specs=pl.BlockSpec((BN, WIDTH), lambda i: (i, 0)),
        out_shape=jax.ShapeDtypeStruct((NP, WIDTH), jnp.float32),
    )(xp, W_emb, b_emb)


def _tc2_body(h_ref, degp_ref, w1_ref, z1p_ref, norms_ref):
    h = h_ref[...]
    deg = jnp.sum(degp_ref[...], axis=1)
    norms = jnp.where(deg > 0, lax.rsqrt(jnp.maximum(deg, 1e-12)), 0.0)
    norms_ref[...] = norms
    hs = h * norms[0][:, None]
    z1 = lax.dot_general(w1_ref[...], hs, (((0,), (1,)), ((), ())),
                         preferred_element_type=jnp.float32)
    z1r = z1.reshape(WIDTH // 2, 2, BN)
    ev = lax.bitcast_convert_type(z1r[:, 0, :].astype(jnp.bfloat16),
                                  jnp.uint16).astype(jnp.uint32)
    od = lax.bitcast_convert_type(z1r[:, 1, :].astype(jnp.bfloat16),
                                  jnp.uint16).astype(jnp.uint32)
    z1p_ref[...] = lax.bitcast_convert_type(ev | (od << 16), jnp.int32)


def _tc2(h, degp, W1):
    return pl.pallas_call(
        _tc2_body,
        grid=(NP // BN,),
        in_specs=[
            pl.BlockSpec((BN, WIDTH), lambda i: (i, 0)),
            pl.BlockSpec((2, NW, BN), lambda i: (0, 0, i)),
            pl.BlockSpec((WIDTH, WIDTH), lambda i: (0, 0)),
        ],
        out_specs=[
            pl.BlockSpec((WIDTH // 2, BN), lambda i: (0, i)),
            pl.BlockSpec((2, BN), lambda i: (0, i)),
        ],
        out_shape=[
            jax.ShapeDtypeStruct((WIDTH // 2, NP), jnp.int32),
            jax.ShapeDtypeStruct((2, NP), jnp.float32),
        ],
    )(h, degp, W1)


def _tc3_body(agg_ref, norms_ref, b1_ref, w2_ref, qparts_ref, b2_ref,
              out_ref):
    i = pl.program_id(0)
    ni = norms_ref[1:2, :]
    no = norms_ref[0:1, :]
    h1 = jnp.maximum(agg_ref[...] * ni + b1_ref[...], 0.0)
    h2s = h1 * no
    z2t = lax.dot_general(w2_ref[...], h2s, (((0,), (0,)), ((), ())),
                          preferred_element_type=jnp.float32)
    q = jnp.sum(qparts_ref[...], axis=0)
    part = lax.dot_general(q[None, :], z2t, (((1,), (1,)), ((), ())),
                           preferred_element_type=jnp.float32)

    @pl.when(i == 0)
    def _():
        out_ref[...] = jnp.zeros_like(out_ref)

    out_ref[...] += part

    @pl.when(i == NP // BN - 1)
    def _():
        out_ref[...] = out_ref[...] * (1.0 / N) + b2_ref[...]


def _tc3(aggt, norms, b1, W2, qparts, b2):
    return pl.pallas_call(
        _tc3_body,
        grid=(NP // BN,),
        in_specs=[
            pl.BlockSpec((WIDTH, BN), lambda i: (0, i)),
            pl.BlockSpec((2, BN), lambda i: (0, i)),
            pl.BlockSpec((WIDTH, 1), lambda i: (0, 0)),
            pl.BlockSpec((WIDTH, D_OUT), lambda i: (0, 0)),
            pl.BlockSpec((NW, BN), lambda i: (0, i)),
            pl.BlockSpec((1, D_OUT), lambda i: (0, 0)),
        ],
        out_specs=pl.BlockSpec((1, D_OUT), lambda i: (0, 0)),
        out_shape=jax.ShapeDtypeStruct((1, D_OUT), jnp.float32),
    )(aggt, norms, b1, W2, qparts, b2)


def kernel(x, edge_index, bondlength, W_emb, b_emb, W1, b1, W2, b2):
    src = edge_index[0]
    dst = edge_index[1]
    blt = bondlength.T
    bl0, bl1, bl2, bl3 = blt[0], blt[1], blt[2], blt[3]

    xp = jnp.pad(x, ((0, NP - N), (0, 0)))

    ew, degp = _sc1(bl0, bl1, bl2, bl3, src, dst)
    h = _tc1(xp, W_emb, b_emb.reshape(1, WIDTH))
    z1p, norms = _tc2(h, degp.reshape(2, NW, NP), W1)
    aggt = _sc2(z1p.reshape(WIDTH // 2 * NP), src, dst, ew)
    qparts = _sc3(norms[1], src, dst, ew)
    out = _tc3(aggt.reshape(WIDTH, NP), norms, b1.reshape(WIDTH, 1), W2,
               qparts.reshape(NW, NP), b2.reshape(1, D_OUT))
    return jnp.reshape(out, (D_OUT,))

# --- scband reference (transcript-rebuilt; emitter-appended) ---
"""Pipeline reference for scband-simple-gcn-76175539961908 (READ-ONLY COPY).

The authoritative reference and input builder live on the scoring server;
editing this copy changes nothing except your own understanding.
"""

import jax, jax.numpy as jnp
import numpy as np

N = 10000
E = 320000
D_IN = 128
WIDTH = 128
D_OUT = 64
LS = 8.0


def setup_inputs(seed: int = 0) -> dict:
    key = jax.random.key(seed)
    ks = jax.random.split(key, 9)
    x = jax.random.normal(ks[0], (N, D_IN), dtype=jnp.float32)
    edge_index = jax.random.randint(ks[1], (2, E), 0, N, dtype=jnp.int32)
    bondlength = jax.random.normal(ks[2], (E, 4), dtype=jnp.float32)
    W_emb = jax.random.normal(ks[3], (D_IN, WIDTH), dtype=jnp.float32) * (1.0 / np.sqrt(D_IN))
    b_emb = jnp.zeros((WIDTH,), dtype=jnp.float32)
    W1 = jax.random.normal(ks[4], (WIDTH, WIDTH), dtype=jnp.float32) * (1.0 / np.sqrt(WIDTH))
    b1 = jnp.zeros((WIDTH,), dtype=jnp.float32)
    W2 = jax.random.normal(ks[5], (WIDTH, D_OUT), dtype=jnp.float32) * (1.0 / np.sqrt(WIDTH))
    b2 = jnp.zeros((D_OUT,), dtype=jnp.float32)
    return {"x": x, "edge_index": edge_index, "bondlength": bondlength,
            "W_emb": W_emb, "b_emb": b_emb, "W1": W1, "b1": b1, "W2": W2, "b2": b2}


def _graph_conv(h, src, dst, ew, W, b):
    # DGL GraphConv with norm='both' and explicit edge_weight:
    # out = D_in^{-1/2} A_w D_out^{-1/2} h W + b
    n = h.shape[0]
    deg_out = jnp.zeros((n,), h.dtype).at[src].add(ew)
    deg_in = jnp.zeros((n,), h.dtype).at[dst].add(ew)
    norm_out = jnp.where(deg_out > 0, jax.lax.rsqrt(jnp.maximum(deg_out, 1e-12)), 0.0)
    norm_in = jnp.where(deg_in > 0, jax.lax.rsqrt(jnp.maximum(deg_in, 1e-12)), 0.0)
    hs = h * norm_out[:, None]
    msg = hs[src] * ew[:, None]
    agg = jnp.zeros_like(h).at[dst].add(msg)
    agg = agg * norm_in[:, None]
    return agg @ W + b


def reference(x, edge_index, bondlength, W_emb, b_emb, W1, b1, W2, b2):
    src = edge_index[0]
    dst = edge_index[1]
    # weight_edges=True: gaussian kernel on bond length
    r = jnp.linalg.norm(bondlength, axis=1)
    ew = jnp.exp(-(r ** 2) / (LS ** 2))
    # atom embedding
    h = x @ W_emb + b_emb
    # two GraphConv layers
    h = jax.nn.relu(_graph_conv(h, src, dst, ew, W1, b1))
    h = _graph_conv(h, src, dst, ew, W2, b2)
    # AvgPooling readout over a single graph, then squeeze
    out = jnp.mean(h, axis=0)
    return jnp.squeeze(out)

if __name__ == "__main__":
    import jax
    _d = setup_inputs()
    print(jax.jit(kernel)(*tuple(_d.values())))

</pallas_src>

<mosaic_0001>
#map = affine_map<(d0, d1) -> (0)>
module attributes {stable_mosaic.version = 14 : i64} {
  func.func @_sc1_body(%arg0: i32, %arg1: i32, %arg2: memref<320000xf32, #tpu.memory_space<hbm>>, %arg3: memref<320000xf32, #tpu.memory_space<hbm>>, %arg4: memref<320000xf32, #tpu.memory_space<hbm>>, %arg5: memref<320000xf32, #tpu.memory_space<hbm>>, %arg6: memref<320000xi32, #tpu.memory_space<hbm>>, %arg7: memref<320000xi32, #tpu.memory_space<hbm>>, %arg8: memref<320000xf32, #tpu.memory_space<hbm>>, %arg9: memref<655360xf32, #tpu.memory_space<hbm>>, %arg10: memref<2000xf32, #tpu.memory_space<vmem>>, %arg11: memref<2000xf32, #tpu.memory_space<vmem>>, %arg12: memref<2000xf32, #tpu.memory_space<vmem>>, %arg13: memref<2000xf32, #tpu.memory_space<vmem>>, %arg14: memref<2000xi32, #tpu.memory_space<vmem>>, %arg15: memref<2000xi32, #tpu.memory_space<vmem>>, %arg16: memref<2000xf32, #tpu.memory_space<vmem>>, %arg17: memref<2000xf32, #tpu.memory_space<vmem>>, %arg18: memref<2000xf32, #tpu.memory_space<vmem>>, %arg19: memref<2000xf32, #tpu.memory_space<vmem>>, %arg20: memref<2000xi32, #tpu.memory_space<vmem>>, %arg21: memref<2000xi32, #tpu.memory_space<vmem>>, %arg22: memref<2000xf32, #tpu.memory_space<vmem>>, %arg23: memref<10240xf32, #tpu.memory_space<vmem>>, %arg24: memref<10240xf32, #tpu.memory_space<vmem>>) attributes {dimension_semantics = [#tpu.dimension_semantics<core_parallel>, #tpu.dimension_semantics<subcore_parallel>], iteration_bounds = array<i64: 2, 16>, scalar_prefetch = 0 : i64, scratch_operands = 15 : i64, tpu.core_type = #tpu.core_type<sc_vector_subcore>, window_params = [{transform_indices = #map}, {transform_indices = #map}, {transform_indices = #map}, {transform_indices = #map}, {transform_indices = #map}, {transform_indices = #map}, {transform_indices = #map}, {transform_indices = #map}]} {
    %mul3A = arith.constant 2 : i32
    %mul3A_0 = arith.muli %arg1, %mul3A : i32
    %add3A = arith.addi %mul3A_0, %arg0 : i32
    %mul3A_1 = arith.constant 10000 : i32
    %mul3A_2 = arith.muli %add3A, %mul3A_1 : i32
    %broadcast_in_dim3A = arith.constant 0.000000e+00 : f32
    %broadcast_in_dim3A_3 = vector.broadcast %broadcast_in_dim3A : f32 to vector<16xf32>
    %scan3A = arith.constant 0 : i32
    %scan3A_4 = arith.constant 0 : i32
    %scan3A_5 = arith.constant 640 : i32
    %scan3A_6 = arith.addi %scan3A_4, %scan3A_5 : i32
    %scan3A_7 = arith.constant 1 : i32
    %scan3A_8 = scf.for %scan3A_32 = %scan3A_4 to %scan3A_6 step %scan3A_7 iter_args(%scan3A_33 = %scan3A) -> (i32)  : i32 {
      %mul3A_34 = arith.constant 16 : i32
      %mul3A_35 = arith.muli %scan3A_32, %mul3A_34 : i32
      %swap3A = arith.index_cast %mul3A_35 : i32 to index
      %swap3A_36 = tpu.vector_load %arg23[%swap3A] {strides = array<i32>} : memref<10240xf32, #tpu.memory_space<vmem>>, vector<16xf32>,
      tpu.vector_store %arg23[%swap3A], %broadcast_in_dim3A_3 {strides = array<i32>} : memref<10240xf32, #tpu.memory_space<vmem>>, vector<16xf32>,
      %scan3A_37 = arith.constant 0 : i32
      scf.yield %scan3A_37 : i32
    }
    %scan3A_9 = arith.constant 640 : i32
    %broadcast_in_dim3A_10 = arith.constant 0.000000e+00 : f32
    %broadcast_in_dim3A_11 = vector.broadcast %broadcast_in_dim3A_10 : f32 to vector<16xf32>
    %scan3A_12 = arith.constant 0 : i32
    %scan3A_13 = arith.constant 0 : i32
    %scan3A_14 = arith.constant 640 : i32
    %scan3A_15 = arith.addi %scan3A_13, %scan3A_14 : i32
    %scan3A_16 = arith.constant 1 : i32
    %scan3A_17 = scf.for %scan3A_32 = %scan3A_13 to %scan3A_15 step %scan3A_16 iter_args(%scan3A_33 = %scan3A_12) -> (i32)  : i32 {
      %mul3A_34 = arith.constant 16 : i32
      %mul3A_35 = arith.muli %scan3A_32, %mul3A_34 : i32
      %swap3A = arith.index_cast %mul3A_35 : i32 to index
      %swap3A_36 = tpu.vector_load %arg24[%swap3A] {strides = array<i32>} : memref<10240xf32, #tpu.memory_space<vmem>>, vector<16xf32>,
      tpu.vector_store %arg24[%swap3A], %broadcast_in_dim3A_11 {strides = array<i32>} : memref<10240xf32, #tpu.memory_space<vmem>>, vector<16xf32>,
      %scan3A_37 = arith.constant 0 : i32
      scf.yield %scan3A_37 : i32
    }
    %scan3A_18 = arith.constant 640 : i32
    %scan3A_19 = arith.constant 0 : i32
    %scan3A_20 = arith.constant 0 : i32
    %scan3A_21 = arith.constant 5 : i32
    %scan3A_22 = arith.addi %scan3A_20, %scan3A_21 : i32
    %scan3A_23 = arith.constant 1 : i32
    %scan3A_24 = scf.for %scan3A_32 = %scan3A_20 to %scan3A_22 step %scan3A_23 iter_args(%scan3A_33 = %scan3A_19) -> (i32)  : i32 {
      %mul3A_34 = arith.constant 2000 : i32
      %mul3A_35 = arith.muli %scan3A_32, %mul3A_34 : i32
      %add3A_36 = arith.addi %mul3A_2, %mul3A_35 : i32
      "tpu.region"() ({
        %run_scoped3A = tpu.sem_alloc : memref<!tpu.dma_semaphore, #tpu.memory_space<semaphore_mem>>
        %dma_start3A = tpu.memref_slice %arg2[%add3A_36] : memref<320000xf32, #tpu.memory_space<hbm>> -> memref<2000xf32, #tpu.memory_space<hbm>>
        %dma_start3A_43 = tpu.memref_slice %arg2[%add3A_36] : memref<320000xf32, #tpu.memory_space<hbm>> -> memref<2000xf32, #tpu.memory_space<hbm>>
        tpu.enqueue_dma source(%dma_start3A_43 : memref<2000xf32, #tpu.memory_space<hbm>>) target(%arg10 : memref<2000xf32, #tpu.memory_space<vmem>>) target_semaphore(%run_scoped3A : memref<!tpu.dma_semaphore, #tpu.memory_space<semaphore_mem>>)
        %dma_wait3A = tpu.memref_slice %arg2[%add3A_36] : memref<320000xf32, #tpu.memory_space<hbm>> -> memref<2000xf32, #tpu.memory_space<hbm>>
        %dma_wait3A_44 = tpu.memref_slice %arg2[%add3A_36] : memref<320000xf32, #tpu.memory_space<hbm>> -> memref<2000xf32, #tpu.memory_space<hbm>>
        tpu.wait_dma2 semaphore(%run_scoped3A : memref<!tpu.dma_semaphore, #tpu.memory_space<semaphore_mem>>) src(%dma_wait3A_44 : memref<2000xf32, #tpu.memory_space<hbm>>) dst(%arg10 : memref<2000xf32, #tpu.memory_space<vmem>>)
        tpu.yield
      }) : () -> ()
      "tpu.region"() ({
        %run_scoped3A = tpu.sem_alloc : memref<!tpu.dma_semaphore, #tpu.memory_space<semaphore_mem>>
        %dma_start3A = tpu.memref_slice %arg3[%add3A_36] : memref<320000xf32, #tpu.memory_space<hbm>> -> memref<2000xf32, #tpu.memory_space<hbm>>
        %dma_start3A_43 = tpu.memref_slice %arg3[%add3A_36] : memref<320000xf32, #tpu.memory_space<hbm>> -> memref<2000xf32, #tpu.memory_space<hbm>>
        tpu.enqueue_dma source(%dma_start3A_43 : memref<2000xf32, #tpu.memory_space<hbm>>) target(%arg11 : memref<2000xf32, #tpu.memory_space<vmem>>) target_semaphore(%run_scoped3A : memref<!tpu.dma_semaphore, #tpu.memory_space<semaphore_mem>>)
        %dma_wait3A = tpu.memref_slice %arg3[%add3A_36] : memref<320000xf32, #tpu.memory_space<hbm>> -> memref<2000xf32, #tpu.memory_space<hbm>>
        %dma_wait3A_44 = tpu.memref_slice %arg3[%add3A_36] : memref<320000xf32, #tpu.memory_space<hbm>> -> memref<2000xf32, #tpu.memory_space<hbm>>
        tpu.wait_dma2 semaphore(%run_scoped3A : memref<!tpu.dma_semaphore, #tpu.memory_space<semaphore_mem>>) src(%dma_wait3A_44 : memref<2000xf32, #tpu.memory_space<hbm>>) dst(%arg11 : memref<2000xf32, #tpu.memory_space<vmem>>)
        tpu.yield
      }) : () -> ()
      "tpu.region"() ({
        %run_scoped3A = tpu.sem_alloc : memref<!tpu.dma_semaphore, #tpu.memory_space<semaphore_mem>>
        %dma_start3A = tpu.memref_slice %arg4[%add3A_36] : memref<320000xf32, #tpu.memory_space<hbm>> -> memref<2000xf32, #tpu.memory_space<hbm>>
        %dma_start3A_43 = tpu.memref_slice %arg4[%add3A_36] : memref<320000xf32, #tpu.memory_space<hbm>> -> memref<2000xf32, #tpu.memory_space<hbm>>
        tpu.enqueue_dma source(%dma_start3A_43 : memref<2000xf32, #tpu.memory_space<hbm>>) target(%arg12 : memref<2000xf32, #tpu.memory_space<vmem>>) target_semaphore(%run_scoped3A : memref<!tpu.dma_semaphore, #tpu.memory_space<semaphore_mem>>)
        %dma_wait3A = tpu.memref_slice %arg4[%add3A_36] : memref<320000xf32, #tpu.memory_space<hbm>> -> memref<2000xf32, #tpu.memory_space<hbm>>
        %dma_wait3A_44 = tpu.memref_slice %arg4[%add3A_36] : memref<320000xf32, #tpu.memory_space<hbm>> -> memref<2000xf32, #tpu.memory_space<hbm>>
        tpu.wait_dma2 semaphore(%run_scoped3A : memref<!tpu.dma_semaphore, #tpu.memory_space<semaphore_mem>>) src(%dma_wait3A_44 : memref<2000xf32, #tpu.memory_space<hbm>>) dst(%arg12 : memref<2000xf32, #tpu.memory_space<vmem>>)
        tpu.yield
      }) : () -> ()
      "tpu.region"() ({
        %run_scoped3A = tpu.sem_alloc : memref<!tpu.dma_semaphore, #tpu.memory_space<semaphore_mem>>
        %dma_start3A = tpu.memref_slice %arg5[%add3A_36] : memref<320000xf32, #tpu.memory_space<hbm>> -> memref<2000xf32, #tpu.memory_space<hbm>>
        %dma_start3A_43 = tpu.memref_slice %arg5[%add3A_36] : memref<320000xf32, #tpu.memory_space<hbm>> -> memref<2000xf32, #tpu.memory_space<hbm>>
        tpu.enqueue_dma source(%dma_start3A_43 : memref<2000xf32, #tpu.memory_space<hbm>>) target(%arg13 : memref<2000xf32, #tpu.memory_space<vmem>>) target_semaphore(%run_scoped3A : memref<!tpu.dma_semaphore, #tpu.memory_space<semaphore_mem>>)
        %dma_wait3A = tpu.memref_slice %arg5[%add3A_36] : memref<320000xf32, #tpu.memory_space<hbm>> -> memref<2000xf32, #tpu.memory_space<hbm>>
        %dma_wait3A_44 = tpu.memref_slice %arg5[%add3A_36] : memref<320000xf32, #tpu.memory_space<hbm>> -> memref<2000xf32, #tpu.memory_space<hbm>>
        tpu.wait_dma2 semaphore(%run_scoped3A : memref<!tpu.dma_semaphore, #tpu.memory_space<semaphore_mem>>) src(%dma_wait3A_44 : memref<2000xf32, #tpu.memory_space<hbm>>) dst(%arg13 : memref<2000xf32, #tpu.memory_space<vmem>>)
        tpu.yield
      }) : () -> ()
      "tpu.region"() ({
        %run_scoped3A = tpu.sem_alloc : memref<!tpu.dma_semaphore, #tpu.memory_space<semaphore_mem>>
        %dma_start3A = tpu.memref_slice %arg6[%add3A_36] : memref<320000xi32, #tpu.memory_space<hbm>> -> memref<2000xi32, #tpu.memory_space<hbm>>
        %dma_start3A_43 = tpu.memref_slice %arg6[%add3A_36] : memref<320000xi32, #tpu.memory_space<hbm>> -> memref<2000xi32, #tpu.memory_space<hbm>>
        tpu.enqueue_dma source(%dma_start3A_43 : memref<2000xi32, #tpu.memory_space<hbm>>) target(%arg14 : memref<2000xi32, #tpu.memory_space<vmem>>) target_semaphore(%run_scoped3A : memref<!tpu.dma_semaphore, #tpu.memory_space<semaphore_mem>>)
        %dma_wait3A = tpu.memref_slice %arg6[%add3A_36] : memref<320000xi32, #tpu.memory_space<hbm>> -> memref<2000xi32, #tpu.memory_space<hbm>>
        %dma_wait3A_44 = tpu.memref_slice %arg6[%add3A_36] : memref<320000xi32, #tpu.memory_space<hbm>> -> memref<2000xi32, #tpu.memory_space<hbm>>
        tpu.wait_dma2 semaphore(%run_scoped3A : memref<!tpu.dma_semaphore, #tpu.memory_space<semaphore_mem>>) src(%dma_wait3A_44 : memref<2000xi32, #tpu.memory_space<hbm>>) dst(%arg14 : memref<2000xi32, #tpu.memory_space<vmem>>)
        tpu.yield
      }) : () -> ()
      "tpu.region"() ({
        %run_scoped3A = tpu.sem_alloc : memref<!tpu.dma_semaphore, #tpu.memory_space<semaphore_mem>>
        %dma_start3A = tpu.memref_slice %arg7[%add3A_36] : memref<320000xi32, #tpu.memory_space<hbm>> -> memref<2000xi32, #tpu.memory_space<hbm>>
        %dma_start3A_43 = tpu.memref_slice %arg7[%add3A_36] : memref<320000xi32, #tpu.memory_space<hbm>> -> memref<2000xi32, #tpu.memory_space<hbm>>
        tpu.enqueue_dma source(%dma_start3A_43 : memref<2000xi32, #tpu.memory_space<hbm>>) target(%arg15 : memref<2000xi32, #tpu.memory_space<vmem>>) target_semaphore(%run_scoped3A : memref<!tpu.dma_semaphore, #tpu.memory_space<semaphore_mem>>)
        %dma_wait3A = tpu.memref_slice %arg7[%add3A_36] : memref<320000xi32, #tpu.memory_space<hbm>> -> memref<2000xi32, #tpu.memory_space<hbm>>
        %dma_wait3A_44 = tpu.memref_slice %arg7[%add3A_36] : memref<320000xi32, #tpu.memory_space<hbm>> -> memref<2000xi32, #tpu.memory_space<hbm>>
        tpu.wait_dma2 semaphore(%run_scoped3A : memref<!tpu.dma_semaphore, #tpu.memory_space<semaphore_mem>>) src(%dma_wait3A_44 : memref<2000xi32, #tpu.memory_space<hbm>>) dst(%arg15 : memref<2000xi32, #tpu.memory_space<vmem>>)
        tpu.yield
      }) : () -> ()
      %parallel_loop3A = arith.constant 0 : i32
      %parallel_loop3A_37 = arith.constant 125 : i32
      %parallel_loop3A_38 = arith.constant 1 : i32
      scf.for %parallel_loop3A_43 = %parallel_loop3A to %parallel_loop3A_37 step %parallel_loop3A_38  : i32 {
        %parallel_loop3A_44 = arith.constant 16 : i32
        %parallel_loop3A_45 = arith.muli %parallel_loop3A_43, %parallel_loop3A_44 : i32
        %parallel_loop3A_46 = arith.index_cast %parallel_loop3A_45 : i32 to index
        %parallel_loop3A_47 = tpu.vector_load %arg10[%parallel_loop3A_46] {strides = array<i32>} : memref<2000xf32, #tpu.memory_space<vmem>>, vector<16xf32>,
        %parallel_loop3A_48 = arith.index_cast %parallel_loop3A_45 : i32 to index
        %parallel_loop3A_49 = tpu.vector_load %arg11[%parallel_loop3A_48] {strides = array<i32>} : memref<2000xf32, #tpu.memory_space<vmem>>, vector<16xf32>,
        %parallel_loop3A_50 = arith.index_cast %parallel_loop3A_45 : i32 to index
        %parallel_loop3A_51 = tpu.vector_load %arg12[%parallel_loop3A_50] {strides = array<i32>} : memref<2000xf32, #tpu.memory_space<vmem>>, vector<16xf32>,
        %parallel_loop3A_52 = arith.index_cast %parallel_loop3A_45 : i32 to index
        %parallel_loop3A_53 = tpu.vector_load %arg13[%parallel_loop3A_52] {strides = array<i32>} : memref<2000xf32, #tpu.memory_space<vmem>>, vector<16xf32>,
        %parallel_loop3A_54 = arith.mulf %parallel_loop3A_47, %parallel_loop3A_47 : vector<16xf32>
        %parallel_loop3A_55 = arith.mulf %parallel_loop3A_49, %parallel_loop3A_49 : vector<16xf32>
        %parallel_loop3A_56 = arith.addf %parallel_loop3A_54, %parallel_loop3A_55 : vector<16xf32>
        %parallel_loop3A_57 = arith.mulf %parallel_loop3A_51, %parallel_loop3A_51 : vector<16xf32>
        %parallel_loop3A_58 = arith.addf %parallel_loop3A_56, %parallel_loop3A_57 : vector<16xf32>
        %parallel_loop3A_59 = arith.mulf %parallel_loop3A_53, %parallel_loop3A_53 : vector<16xf32>
        %parallel_loop3A_60 = arith.addf %parallel_loop3A_58, %parallel_loop3A_59 : vector<16xf32>
        %parallel_loop3A_61 = arith.constant -1.562500e-02 : f32
        %parallel_loop3A_62 = vector.broadcast %parallel_loop3A_61 : f32 to vector<16xf32>
        %parallel_loop3A_63 = arith.mulf %parallel_loop3A_60, %parallel_loop3A_62 : vector<16xf32>
        %parallel_loop3A_64 = math.exp %parallel_loop3A_63 : vector<16xf32>
        %parallel_loop3A_65 = arith.index_cast %parallel_loop3A_45 : i32 to index
        %parallel_loop3A_66 = tpu.vector_load %arg22[%parallel_loop3A_65] {strides = array<i32>} : memref<2000xf32, #tpu.memory_space<vmem>>, vector<16xf32>,
        tpu.vector_store %arg22[%parallel_loop3A_65], %parallel_loop3A_64 {strides = array<i32>} : memref<2000xf32, #tpu.memory_space<vmem>>, vector<16xf32>,
        %parallel_loop3A_67 = arith.index_cast %parallel_loop3A_45 : i32 to index
        %parallel_loop3A_68 = tpu.vector_load %arg14[%parallel_loop3A_67] {strides = array<i32>} : memref<2000xi32, #tpu.memory_space<vmem>>, vector<16xi32>,
        %parallel_loop3A_69 = arith.index_cast %parallel_loop3A_45 : i32 to index
        %parallel_loop3A_70 = tpu.vector_load %arg15[%parallel_loop3A_69] {strides = array<i32>} : memref<2000xi32, #tpu.memory_space<vmem>>, vector<16xi32>,
        tpu.vector_store_idx %arg23[%parallel_loop3A_68], %parallel_loop3A_64 {add = true} : memref<10240xf32, #tpu.memory_space<vmem>>[vector<16xi32>], vector<16xf32>,
        tpu.vector_store_idx %arg24[%parallel_loop3A_70], %parallel_loop3A_64 {add = true} : memref<10240xf32, #tpu.memory_space<vmem>>[vector<16xi32>], vector<16xf32>,
      } {sc.loop_unroll_factor = 8 : i64, sc.parallel_access}
      %mul3A_39 = arith.constant 2000 : i32
      %mul3A_40 = arith.muli %scan3A_32, %mul3A_39 : i32
      %add3A_41 = arith.addi %mul3A_2, %mul3A_40 : i32
      "tpu.region"() ({
        %run_scoped3A = tpu.sem_alloc : memref<!tpu.dma_semaphore, #tpu.memory_space<semaphore_mem>>
        %dma_start3A = tpu.memref_slice %arg8[%add3A_41] : memref<320000xf32, #tpu.memory_space<hbm>> -> memref<2000xf32, #tpu.memory_space<hbm>>
        %dma_start3A_43 = tpu.memref_slice %arg8[%add3A_41] : memref<320000xf32, #tpu.memory_space<hbm>> -> memref<2000xf32, #tpu.memory_space<hbm>>
        tpu.enqueue_dma source(%arg22 : memref<2000xf32, #tpu.memory_space<vmem>>) target(%dma_start3A_43 : memref<2000xf32, #tpu.memory_space<hbm>>) target_semaphore(%run_scoped3A : memref<!tpu.dma_semaphore, #tpu.memory_space<semaphore_mem>>)
        %dma_wait3A = tpu.memref_slice %arg8[%add3A_41] : memref<320000xf32, #tpu.memory_space<hbm>> -> memref<2000xf32, #tpu.memory_space<hbm>>
        %dma_wait3A_44 = tpu.memref_slice %arg8[%add3A_41] : memref<320000xf32, #tpu.memory_space<hbm>> -> memref<2000xf32, #tpu.memory_space<hbm>>
        tpu.wait_dma2 semaphore(%run_scoped3A : memref<!tpu.dma_semaphore, #tpu.memory_space<semaphore_mem>>) src(%arg22 : memref<2000xf32, #tpu.memory_space<vmem>>) dst(%dma_wait3A_44 : memref<2000xf32, #tpu.memory_space<hbm>>)
        tpu.yield
      }) : () -> ()
      %scan3A_42 = arith.constant 0 : i32
      scf.yield %scan3A_42 : i32
    }
    %scan3A_25 = arith.constant 5 : i32
    %mul3A_26 = arith.constant 10240 : i32
    %mul3A_27 = arith.muli %add3A, %mul3A_26 : i32
    "tpu.region"() ({
      %run_scoped3A = tpu.sem_alloc : memref<!tpu.dma_semaphore, #tpu.memory_space<semaphore_mem>>
      %dma_start3A = tpu.memref_slice %arg9[%mul3A_27] : memref<655360xf32, #tpu.memory_space<hbm>> -> memref<10240xf32, #tpu.memory_space<hbm>>
      %dma_start3A_32 = tpu.memref_slice %arg9[%mul3A_27] : memref<655360xf32, #tpu.memory_space<hbm>> -> memref<10240xf32, #tpu.memory_space<hbm>>
      tpu.enqueue_dma source(%arg23 : memref<10240xf32, #tpu.memory_space<vmem>>) target(%dma_start3A_32 : memref<10240xf32, #tpu.memory_space<hbm>>) target_semaphore(%run_scoped3A : memref<!tpu.dma_semaphore, #tpu.memory_space<semaphore_mem>>)
      %dma_wait3A = tpu.memref_slice %arg9[%mul3A_27] : memref<655360xf32, #tpu.memory_space<hbm>> -> memref<10240xf32, #tpu.memory_space<hbm>>
      %dma_wait3A_33 = tpu.memref_slice %arg9[%mul3A_27] : memref<655360xf32, #tpu.memory_space<hbm>> -> memref<10240xf32, #tpu.memory_space<hbm>>
      tpu.wait_dma2 semaphore(%run_scoped3A : memref<!tpu.dma_semaphore, #tpu.memory_space<semaphore_mem>>) src(%arg23 : memref<10240xf32, #tpu.memory_space<vmem>>) dst(%dma_wait3A_33 : memref<10240xf32, #tpu.memory_space<hbm>>)
      tpu.yield
    }) : () -> ()
    %add3A_28 = arith.constant 32 : i32
    %add3A_29 = arith.addi %add3A_28, %add3A : i32
    %mul3A_30 = arith.constant 10240 : i32
    %mul3A_31 = arith.muli %add3A_29, %mul3A_30 : i32
    "tpu.region"() ({
      %run_scoped3A = tpu.sem_alloc : memref<!tpu.dma_semaphore, #tpu.memory_space<semaphore_mem>>
      %dma_start3A = tpu.memref_slice %arg9[%mul3A_31] : memref<655360xf32, #tpu.memory_space<hbm>> -> memref<10240xf32, #tpu.memory_space<hbm>>
      %dma_start3A_32 = tpu.memref_slice %arg9[%mul3A_31] : memref<655360xf32, #tpu.memory_space<hbm>> -> memref<10240xf32, #tpu.memory_space<hbm>>
      tpu.enqueue_dma source(%arg24 : memref<10240xf32, #tpu.memory_space<vmem>>) target(%dma_start3A_32 : memref<10240xf32, #tpu.memory_space<hbm>>) target_semaphore(%run_scoped3A : memref<!tpu.dma_semaphore, #tpu.memory_space<semaphore_mem>>)
      %dma_wait3A = tpu.memref_slice %arg9[%mul3A_31] : memref<655360xf32, #tpu.memory_space<hbm>> -> memref<10240xf32, #tpu.memory_space<hbm>>
      %dma_wait3A_33 = tpu.memref_slice %arg9[%mul3A_31] : memref<655360xf32, #tpu.memory_space<hbm>> -> memref<10240xf32, #tpu.memory_space<hbm>>
      tpu.wait_dma2 semaphore(%run_scoped3A : memref<!tpu.dma_semaphore, #tpu.memory_space<semaphore_mem>>) src(%arg24 : memref<10240xf32, #tpu.memory_space<vmem>>) dst(%dma_wait3A_33 : memref<10240xf32, #tpu.memory_space<hbm>>)
      tpu.yield
    }) : () -> ()
    return
  }
}

#map = affine_map<(d0, d1) -> (0)>
module attributes {stable_mosaic.version = 14 : i64} {
  func.func @_sc2_body(%arg0: i32, %arg1: i32, %arg2: memref<655360xi32, #tpu.memory_space<hbm>>, %arg3: memref<320000xi32, #tpu.memory_space<hbm>>, %arg4: memref<320000xi32, #tpu.memory_space<hbm>>, %arg5: memref<320000xf32, #tpu.memory_space<hbm>>, %arg6: memref<1310720xf32, #tpu.memory_space<hbm>>, %arg7: memref<20480xi32, #tpu.memory_space<vmem>>, %arg8: memref<40960xf32, #tpu.memory_space<vmem>>, %arg9: memref<8000xi32, #tpu.memory_space<vmem>>, %arg10: memref<8000xi32, #tpu.memory_space<vmem>>, %arg11: memref<8000xf32, #tpu.memory_space<vmem>>, %arg12: memref<8000xi32, #tpu.memory_space<vmem>>, %arg13: memref<8000xi32, #tpu.memory_space<vmem>>, %arg14: memref<8000xf32, #tpu.memory_space<vmem>>, %arg15: memref<!tpu.dma_semaphore, #tpu.memory_space<semaphore_mem>>, %arg16: memref<!tpu.dma_semaphore, #tpu.memory_space<semaphore_mem>>) attributes {dimension_semantics = [#tpu.dimension_semantics<core_parallel>, #tpu.dimension_semantics<subcore_parallel>], iteration_bounds = array<i64: 2, 16>, scalar_prefetch = 0 : i64, scratch_operands = 10 : i64, tpu.core_type = #tpu.core_type<sc_vector_subcore>, window_params = [{transform_indices = #map}, {transform_indices = #map}, {transform_indices = #map}, {transform_indices = #map}, {transform_indices = #map}]} {
    %mul3A = arith.constant 2 : i32
    %mul3A_0 = arith.muli %arg1, %mul3A : i32
    %add3A = arith.addi %mul3A_0, %arg0 : i32
    %dma_start3A = arith.constant 0 : i32
    %dma_start3A_1 = tpu.memref_slice %arg3[%dma_start3A] : memref<320000xi32, #tpu.memory_space<hbm>> -> memref<8000xi32, #tpu.memory_space<hbm>>
    %dma_start3A_2 = arith.constant 0 : i32
    %dma_start3A_3 = tpu.memref_slice %arg3[%dma_start3A_2] : memref<320000xi32, #tpu.memory_space<hbm>> -> memref<8000xi32, #tpu.memory_space<hbm>>
    tpu.enqueue_dma source(%dma_start3A_3 : memref<8000xi32, #tpu.memory_space<hbm>>) target(%arg9 : memref<8000xi32, #tpu.memory_space<vmem>>) target_semaphore(%arg15 : memref<!tpu.dma_semaphore, #tpu.memory_space<semaphore_mem>>)
    %dma_start3A_4 = arith.constant 0 : i32
    %dma_start3A_5 = tpu.memref_slice %arg4[%dma_start3A_4] : memref<320000xi32, #tpu.memory_space<hbm>> -> memref<8000xi32, #tpu.memory_space<hbm>>
    %dma_start3A_6 = arith.constant 0 : i32
    %dma_start3A_7 = tpu.memref_slice %arg4[%dma_start3A_6] : memref<320000xi32, #tpu.memory_space<hbm>> -> memref<8000xi32, #tpu.memory_space<hbm>>
    tpu.enqueue_dma source(%dma_start3A_7 : memref<8000xi32, #tpu.memory_space<hbm>>) target(%arg10 : memref<8000xi32, #tpu.memory_space<vmem>>) target_semaphore(%arg15 : memref<!tpu.dma_semaphore, #tpu.memory_space<semaphore_mem>>)
    %dma_start3A_8 = arith.constant 0 : i32
    %dma_start3A_9 = tpu.memref_slice %arg5[%dma_start3A_8] : memref<320000xf32, #tpu.memory_space<hbm>> -> memref<8000xf32, #tpu.memory_space<hbm>>
    %dma_start3A_10 = arith.constant 0 : i32
    %dma_start3A_11 = tpu.memref_slice %arg5[%dma_start3A_10] : memref<320000xf32, #tpu.memory_space<hbm>> -> memref<8000xf32, #tpu.memory_space<hbm>>
    tpu.enqueue_dma source(%dma_start3A_11 : memref<8000xf32, #tpu.memory_space<hbm>>) target(%arg11 : memref<8000xf32, #tpu.memory_space<vmem>>) target_semaphore(%arg15 : memref<!tpu.dma_semaphore, #tpu.memory_space<semaphore_mem>>)
    %mul3A_12 = arith.constant 2 : i32
    %mul3A_13 = arith.muli %add3A, %mul3A_12 : i32
    %mul3A_14 = arith.constant 10240 : i32
    %mul3A_15 = arith.muli %mul3A_13, %mul3A_14 : i32
    "tpu.region"() ({
      %run_scoped3A = tpu.sem_alloc : memref<!tpu.dma_semaphore, #tpu.memory_space<semaphore_mem>>
      %dma_start3A_34 = tpu.memref_slice %arg2[%mul3A_15] : memref<655360xi32, #tpu.memory_space<hbm>> -> memref<20480xi32, #tpu.memory_space<hbm>>
      %dma_start3A_35 = tpu.memref_slice %arg2[%mul3A_15] : memref<655360xi32, #tpu.memory_space<hbm>> -> memref<20480xi32, #tpu.memory_space<hbm>>
      tpu.enqueue_dma source(%dma_start3A_35 : memref<20480xi32, #tpu.memory_space<hbm>>) target(%arg7 : memref<20480xi32, #tpu.memory_space<vmem>>) target_semaphore(%run_scoped3A : memref<!tpu.dma_semaphore, #tpu.memory_space<semaphore_mem>>)
      %dma_wait3A = tpu.memref_slice %arg2[%mul3A_15] : memref<655360xi32, #tpu.memory_space<hbm>> -> memref<20480xi32, #tpu.memory_space<hbm>>
      %dma_wait3A_36 = tpu.memref_slice %arg2[%mul3A_15] : memref<655360xi32, #tpu.memory_space<hbm>> -> memref<20480xi32, #tpu.memory_space<hbm>>
      tpu.wait_dma2 semaphore(%run_scoped3A : memref<!tpu.dma_semaphore, #tpu.memory_space<semaphore_mem>>) src(%dma_wait3A_36 : memref<20480xi32, #tpu.memory_space<hbm>>) dst(%arg7 : memref<20480xi32, #tpu.memory_space<vmem>>)
      tpu.yield
    }) : () -> ()
    %broadcast_in_dim3A = arith.constant 0.000000e+00 : f32
    %broadcast_in_dim3A_16 = vector.broadcast %broadcast_in_dim3A : f32 to vector<16xf32>
    %scan3A = arith.constant 0 : i32
    %scan3A_17 = arith.constant 0 : i32
    %scan3A_18 = arith.constant 2560 : i32
    %scan3A_19 = arith.addi %scan3A_17, %scan3A_18 : i32
    %scan3A_20 = arith.constant 1 : i32
    %scan3A_21 = scf.for %scan3A_34 = %scan3A_17 to %scan3A_19 step %scan3A_20 iter_args(%scan3A_35 = %scan3A) -> (i32)  : i32 {
      %mul3A_36 = arith.constant 16 : i32
      %mul3A_37 = arith.muli %scan3A_34, %mul3A_36 : i32
      %swap3A = arith.index_cast %mul3A_37 : i32 to index
      %swap3A_38 = tpu.vector_load %arg8[%swap3A] {strides = array<i32>} : memref<40960xf32, #tpu.memory_space<vmem>>, vector<16xf32>,
      tpu.vector_store %arg8[%swap3A], %broadcast_in_dim3A_16 {strides = array<i32>} : memref<40960xf32, #tpu.memory_space<vmem>>, vector<16xf32>,
      %scan3A_39 = arith.constant 0 : i32
      scf.yield %scan3A_39 : i32
    }
    %scan3A_22 = arith.constant 2560 : i32
    %scan3A_23 = arith.constant 0 : i32
    %scan3A_24 = arith.constant 0 : i32
    %scan3A_25 = arith.constant 20 : i32
    %scan3A_26 = arith.addi %scan3A_24, %scan3A_25 : i32
    %scan3A_27 = arith.constant 1 : i32
    %scan3A_28 = scf.for %scan3A_34 = %scan3A_24 to %scan3A_26 step %scan3A_27 iter_args(%scan3A_35 = %scan3A_23) -> (i32)  : i32 {
      %mul3A_36 = arith.constant 2 : i32
      %mul3A_37 = arith.muli %mul3A_36, %scan3A_34 : i32
      %add3A_38 = arith.constant 1 : i32
      %add3A_39 = arith.addi %mul3A_37, %add3A_38 : i32
      %mul3A_40 = arith.constant 8000 : i32
      %mul3A_41 = arith.muli %add3A_39, %mul3A_40 : i32
      %dma_start3A_42 = tpu.memref_slice %arg3[%mul3A_41] : memref<320000xi32, #tpu.memory_space<hbm>> -> memref<8000xi32, #tpu.memory_space<hbm>>
      %dma_start3A_43 = tpu.memref_slice %arg3[%mul3A_41] : memref<320000xi32, #tpu.memory_space<hbm>> -> memref<8000xi32, #tpu.memory_space<hbm>>
      tpu.enqueue_dma source(%dma_start3A_43 : memref<8000xi32, #tpu.memory_space<hbm>>) target(%arg12 : memref<8000xi32, #tpu.memory_space<vmem>>) target_semaphore(%arg16 : memref<!tpu.dma_semaphore, #tpu.memory_space<semaphore_mem>>)
      %dma_start3A_44 = tpu.memref_slice %arg4[%mul3A_41] : memref<320000xi32, #tpu.memory_space<hbm>> -> memref<8000xi32, #tpu.memory_space<hbm>>
      %dma_start3A_45 = tpu.memref_slice %arg4[%mul3A_41] : memref<320000xi32, #tpu.memory_space<hbm>> -> memref<8000xi32, #tpu.memory_space<hbm>>
      tpu.enqueue_dma source(%dma_start3A_45 : memref<8000xi32, #tpu.memory_space<hbm>>) target(%arg13 : memref<8000xi32, #tpu.memory_space<vmem>>) target_semaphore(%arg16 : memref<!tpu.dma_semaphore, #tpu.memory_space<semaphore_mem>>)
      %dma_start3A_46 = tpu.memref_slice %arg5[%mul3A_41] : memref<320000xf32, #tpu.memory_space<hbm>> -> memref<8000xf32, #tpu.memory_space<hbm>>
      %dma_start3A_47 = tpu.memref_slice %arg5[%mul3A_41] : memref<320000xf32, #tpu.memory_space<hbm>> -> memref<8000xf32, #tpu.memory_space<hbm>>
      tpu.enqueue_dma source(%dma_start3A_47 : memref<8000xf32, #tpu.memory_space<hbm>>) target(%arg14 : memref<8000xf32, #tpu.memory_space<vmem>>) target_semaphore(%arg16 : memref<!tpu.dma_semaphore, #tpu.memory_space<semaphore_mem>>)
      %dma_wait3A = arith.constant 0 : i32
      %dma_wait3A_48 = tpu.memref_slice %arg3[%dma_wait3A] : memref<320000xi32, #tpu.memory_space<hbm>> -> memref<8000xi32, #tpu.memory_space<hbm>>
      %dma_wait3A_49 = arith.constant 0 : i32
      %dma_wait3A_50 = tpu.memref_slice %arg3[%dma_wait3A_49] : memref<320000xi32, #tpu.memory_space<hbm>> -> memref<8000xi32, #tpu.memory_space<hbm>>
      tpu.wait_dma2 semaphore(%arg15 : memref<!tpu.dma_semaphore, #tpu.memory_space<semaphore_mem>>) src(%dma_wait3A_50 : memref<8000xi32, #tpu.memory_space<hbm>>) dst(%arg9 : memref<8000xi32, #tpu.memory_space<vmem>>)
      %dma_wait3A_51 = arith.constant 0 : i32
      %dma_wait3A_52 = tpu.memref_slice %arg4[%dma_wait3A_51] : memref<320000xi32, #tpu.memory_space<hbm>> -> memref<8000xi32, #tpu.memory_space<hbm>>
      %dma_wait3A_53 = arith.constant 0 : i32
      %dma_wait3A_54 = tpu.memref_slice %arg4[%dma_wait3A_53] : memref<320000xi32, #tpu.memory_space<hbm>> -> memref<8000xi32, #tpu.memory_space<hbm>>
      tpu.wait_dma2 semaphore(%arg15 : memref<!tpu.dma_semaphore, #tpu.memory_space<semaphore_mem>>) src(%dma_wait3A_54 : memref<8000xi32, #tpu.memory_space<hbm>>) dst(%arg10 : memref<8000xi32, #tpu.memory_space<vmem>>)
      %dma_wait3A_55 = arith.constant 0 : i32
      %dma_wait3A_56 = tpu.memref_slice %arg5[%dma_wait3A_55] : memref<320000xf32, #tpu.memory_space<hbm>> -> memref<8000xf32, #tpu.memory_space<hbm>>
      %dma_wait3A_57 = arith.constant 0 : i32
      %dma_wait3A_58 = tpu.memref_slice %arg5[%dma_wait3A_57] : memref<320000xf32, #tpu.memory_space<hbm>> -> memref<8000xf32, #tpu.memory_space<hbm>>
      tpu.wait_dma2 semaphore(%arg15 : memref<!tpu.dma_semaphore, #tpu.memory_space<semaphore_mem>>) src(%dma_wait3A_58 : memref<8000xf32, #tpu.memory_space<hbm>>) dst(%arg11 : memref<8000xf32, #tpu.memory_space<vmem>>)
      %parallel_loop3A = arith.constant 0 : i32
      %parallel_loop3A_59 = arith.constant 500 : i32
      %parallel_loop3A_60 = arith.constant 1 : i32
      scf.for %parallel_loop3A_81 = %parallel_loop3A to %parallel_loop3A_59 step %parallel_loop3A_60  : i32 {
        %parallel_loop3A_82 = arith.constant 16 : i32
        %parallel_loop3A_83 = arith.muli %parallel_loop3A_81, %parallel_loop3A_82 : i32
        %parallel_loop3A_84 = arith.index_cast %parallel_loop3A_83 : i32 to index
        %parallel_loop3A_85 = tpu.vector_load %arg9[%parallel_loop3A_84] {strides = array<i32>} : memref<8000xi32, #tpu.memory_space<vmem>>, vector<16xi32>,
        %parallel_loop3A_86 = arith.index_cast %parallel_loop3A_83 : i32 to index
        %parallel_loop3A_87 = tpu.vector_load %arg10[%parallel_loop3A_86] {strides = array<i32>} : memref<8000xi32, #tpu.memory_space<vmem>>, vector<16xi32>,
        %parallel_loop3A_88 = arith.index_cast %parallel_loop3A_83 : i32 to index
        %parallel_loop3A_89 = tpu.vector_load %arg11[%parallel_loop3A_88] {strides = array<i32>} : memref<8000xf32, #tpu.memory_space<vmem>>, vector<16xf32>,
        %parallel_loop3A_90 = arith.constant 0 : i32
        %parallel_loop3A_91 = vector.broadcast %parallel_loop3A_90 : i32 to vector<16xi32>
        %parallel_loop3A_92 = arith.addi %parallel_loop3A_85, %parallel_loop3A_91 : vector<16xi32>
        %parallel_loop3A_93 = tpu.vector_load_idx %arg7[%parallel_loop3A_92] : memref<20480xi32, #tpu.memory_space<vmem>>[vector<16xi32>], vector<16xi32>,
        %parallel_loop3A_94 = arith.constant 16 : i32
        %parallel_loop3A_95 = vector.broadcast %parallel_loop3A_94 : i32 to vector<16xi32>
        %parallel_loop3A_96 = arith.shli %parallel_loop3A_93, %parallel_loop3A_95 : vector<16xi32>
        %parallel_loop3A_97 = vector.bitcast %parallel_loop3A_96 : vector<16xi32> to vector<16xf32>
        %parallel_loop3A_98 = arith.constant -65536 : i32
        %parallel_loop3A_99 = vector.broadcast %parallel_loop3A_98 : i32 to vector<16xi32>
        %parallel_loop3A_100 = arith.andi %parallel_loop3A_93, %parallel_loop3A_99 : vector<16xi32>
        %parallel_loop3A_101 = vector.bitcast %parallel_loop3A_100 : vector<16xi32> to vector<16xf32>
        %parallel_loop3A_102 = arith.constant 0 : i32
        %parallel_loop3A_103 = vector.broadcast %parallel_loop3A_102 : i32 to vector<16xi32>
        %parallel_loop3A_104 = arith.addi %parallel_loop3A_87, %parallel_loop3A_103 : vector<16xi32>
        %parallel_loop3A_105 = arith.mulf %parallel_loop3A_97, %parallel_loop3A_89 : vector<16xf32>
        tpu.vector_store_idx %arg8[%parallel_loop3A_104], %parallel_loop3A_105 {add = true} : memref<40960xf32, #tpu.memory_space<vmem>>[vector<16xi32>], vector<16xf32>,
        %parallel_loop3A_106 = arith.constant 10240 : i32
        %parallel_loop3A_107 = vector.broadcast %parallel_loop3A_106 : i32 to vector<16xi32>
        %parallel_loop3A_108 = arith.addi %parallel_loop3A_87, %parallel_loop3A_107 : vector<16xi32>
        %parallel_loop3A_109 = arith.mulf %parallel_loop3A_101, %parallel_loop3A_89 : vector<16xf32>
        tpu.vector_store_idx %arg8[%parallel_loop3A_108], %parallel_loop3A_109 {add = true} : memref<40960xf32, #tpu.memory_space<vmem>>[vector<16xi32>], vector<16xf32>,
        %parallel_loop3A_110 = arith.constant 10240 : i32
        %parallel_loop3A_111 = vector.broadcast %parallel_loop3A_110 : i32 to vector<16xi32>
        %parallel_loop3A_112 = arith.addi %parallel_loop3A_85, %parallel_loop3A_111 : vector<16xi32>
        %parallel_loop3A_113 = tpu.vector_load_idx %arg7[%parallel_loop3A_112] : memref<20480xi32, #tpu.memory_space<vmem>>[vector<16xi32>], vector<16xi32>,
        %parallel_loop3A_114 = arith.constant 16 : i32
        %parallel_loop3A_115 = vector.broadcast %parallel_loop3A_114 : i32 to vector<16xi32>
        %parallel_loop3A_116 = arith.shli %parallel_loop3A_113, %parallel_loop3A_115 : vector<16xi32>
        %parallel_loop3A_117 = vector.bitcast %parallel_loop3A_116 : vector<16xi32> to vector<16xf32>
        %parallel_loop3A_118 = arith.constant -65536 : i32
        %parallel_loop3A_119 = vector.broadcast %parallel_loop3A_118 : i32 to vector<16xi32>
        %parallel_loop3A_120 = arith.andi %parallel_loop3A_113, %parallel_loop3A_119 : vector<16xi32>
        %parallel_loop3A_121 = vector.bitcast %parallel_loop3A_120 : vector<16xi32> to vector<16xf32>
        %parallel_loop3A_122 = arith.constant 20480 : i32
        %parallel_loop3A_123 = vector.broadcast %parallel_loop3A_122 : i32 to vector<16xi32>
        %parallel_loop3A_124 = arith.addi %parallel_loop3A_87, %parallel_loop3A_123 : vector<16xi32>
        %parallel_loop3A_125 = arith.mulf %parallel_loop3A_117, %parallel_loop3A_89 : vector<16xf32>
        tpu.vector_store_idx %arg8[%parallel_loop3A_124], %parallel_loop3A_125 {add = true} : memref<40960xf32, #tpu.memory_space<vmem>>[vector<16xi32>], vector<16xf32>,
        %parallel_loop3A_126 = arith.constant 30720 : i32
        %parallel_loop3A_127 = vector.broadcast %parallel_loop3A_126 : i32 to vector<16xi32>
        %parallel_loop3A_128 = arith.addi %parallel_loop3A_87, %parallel_loop3A_127 : vector<16xi32>
        %parallel_loop3A_129 = arith.mulf %parallel_loop3A_121, %parallel_loop3A_89 : vector<16xf32>
        tpu.vector_store_idx %arg8[%parallel_loop3A_128], %parallel_loop3A_129 {add = true} : memref<40960xf32, #tpu.memory_space<vmem>>[vector<16xi32>], vector<16xf32>,
      } {sc.loop_unroll_factor = 8 : i64, sc.parallel_access}
      %add3A_61 = arith.constant 2 : i32
      %add3A_62 = arith.addi %mul3A_37, %add3A_61 : i32
      %lt3A = arith.constant 40 : i32
      %lt3A_63 = arith.cmpi slt, %add3A_62, %lt3A : i32
      %convert_element_type3A = arith.extui %lt3A_63 : i1 to i32
      %cond3A = arith.constant 0 : i32
      %cond3A_64 = arith.cmpi ne, %convert_element_type3A, %cond3A : i32
      scf.if %cond3A_64 {
        %add3A_81 = arith.constant 2 : i32
        %add3A_82 = arith.addi %mul3A_37, %add3A_81 : i32
        %mul3A_83 = arith.constant 8000 : i32
        %mul3A_84 = arith.muli %add3A_82, %mul3A_83 : i32
        %dma_start3A_85 = tpu.memref_slice %arg3[%mul3A_84] : memref<320000xi32, #tpu.memory_space<hbm>> -> memref<8000xi32, #tpu.memory_space<hbm>>
        %dma_start3A_86 = tpu.memref_slice %arg3[%mul3A_84] : memref<320000xi32, #tpu.memory_space<hbm>> -> memref<8000xi32, #tpu.memory_space<hbm>>
        tpu.enqueue_dma source(%dma_start3A_86 : memref<8000xi32, #tpu.memory_space<hbm>>) target(%arg9 : memref<8000xi32, #tpu.memory_space<vmem>>) target_semaphore(%arg15 : memref<!tpu.dma_semaphore, #tpu.memory_space<semaphore_mem>>)
        %dma_start3A_87 = tpu.memref_slice %arg4[%mul3A_84] : memref<320000xi32, #tpu.memory_space<hbm>> -> memref<8000xi32, #tpu.memory_space<hbm>>
        %dma_start3A_88 = tpu.memref_slice %arg4[%mul3A_84] : memref<320000xi32, #tpu.memory_space<hbm>> -> memref<8000xi32, #tpu.memory_space<hbm>>
        tpu.enqueue_dma source(%dma_start3A_88 : memref<8000xi32, #tpu.memory_space<hbm>>) target(%arg10 : memref<8000xi32, #tpu.memory_space<vmem>>) target_semaphore(%arg15 : memref<!tpu.dma_semaphore, #tpu.memory_space<semaphore_mem>>)
        %dma_start3A_89 = tpu.memref_slice %arg5[%mul3A_84] : memref<320000xf32, #tpu.memory_space<hbm>> -> memref<8000xf32, #tpu.memory_space<hbm>>
        %dma_start3A_90 = tpu.memref_slice %arg5[%mul3A_84] : memref<320000xf32, #tpu.memory_space<hbm>> -> memref<8000xf32, #tpu.memory_space<hbm>>
        tpu.enqueue_dma source(%dma_start3A_90 : memref<8000xf32, #tpu.memory_space<hbm>>) target(%arg11 : memref<8000xf32, #tpu.memory_space<vmem>>) target_semaphore(%arg15 : memref<!tpu.dma_semaphore, #tpu.memory_space<semaphore_mem>>)
      } else {
      }
      %dma_wait3A_65 = arith.constant 0 : i32
      %dma_wait3A_66 = tpu.memref_slice %arg3[%dma_wait3A_65] : memref<320000xi32, #tpu.memory_space<hbm>> -> memref<8000xi32, #tpu.memory_space<hbm>>
      %dma_wait3A_67 = arith.constant 0 : i32
      %dma_wait3A_68 = tpu.memref_slice %arg3[%dma_wait3A_67] : memref<320000xi32, #tpu.memory_space<hbm>> -> memref<8000xi32, #tpu.memory_space<hbm>>
      tpu.wait_dma2 semaphore(%arg16 : memref<!tpu.dma_semaphore, #tpu.memory_space<semaphore_mem>>) src(%dma_wait3A_68 : memref<8000xi32, #tpu.memory_space<hbm>>) dst(%arg12 : memref<8000xi32, #tpu.memory_space<vmem>>)
      %dma_wait3A_69 = arith.constant 0 : i32
      %dma_wait3A_70 = tpu.memref_slice %arg4[%dma_wait3A_69] : memref<320000xi32, #tpu.memory_space<hbm>> -> memref<8000xi32, #tpu.memory_space<hbm>>
      %dma_wait3A_71 = arith.constant 0 : i32
      %dma_wait3A_72 = tpu.memref_slice %arg4[%dma_wait3A_71] : memref<320000xi32, #tpu.memory_space<hbm>> -> memref<8000xi32, #tpu.memory_space<hbm>>
      tpu.wait_dma2 semaphore(%arg16 : memref<!tpu.dma_semaphore, #tpu.memory_space<semaphore_mem>>) src(%dma_wait3A_72 : memref<8000xi32, #tpu.memory_space<hbm>>) dst(%arg13 : memref<8000xi32, #tpu.memory_space<vmem>>)
      %dma_wait3A_73 = arith.constant 0 : i32
      %dma_wait3A_74 = tpu.memref_slice %arg5[%dma_wait3A_73] : memref<320000xf32, #tpu.memory_space<hbm>> -> memref<8000xf32, #tpu.memory_space<hbm>>
      %dma_wait3A_75 = arith.constant 0 : i32
      %dma_wait3A_76 = tpu.memref_slice %arg5[%dma_wait3A_75] : memref<320000xf32, #tpu.memory_space<hbm>> -> memref<8000xf32, #tpu.memory_space<hbm>>
      tpu.wait_dma2 semaphore(%arg16 : memref<!tpu.dma_semaphore, #tpu.memory_space<semaphore_mem>>) src(%dma_wait3A_76 : memref<8000xf32, #tpu.memory_space<hbm>>) dst(%arg14 : memref<8000xf32, #tpu.memory_space<vmem>>)
      %parallel_loop3A_77 = arith.constant 0 : i32
      %parallel_loop3A_78 = arith.constant 500 : i32
      %parallel_loop3A_79 = arith.constant 1 : i32
      scf.for %parallel_loop3A_81 = %parallel_loop3A_77 to %parallel_loop3A_78 step %parallel_loop3A_79  : i32 {
        %parallel_loop3A_82 = arith.constant 16 : i32
        %parallel_loop3A_83 = arith.muli %parallel_loop3A_81, %parallel_loop3A_82 : i32
        %parallel_loop3A_84 = arith.index_cast %parallel_loop3A_83 : i32 to index
        %parallel_loop3A_85 = tpu.vector_load %arg12[%parallel_loop3A_84] {strides = array<i32>} : memref<8000xi32, #tpu.memory_space<vmem>>, vector<16xi32>,
        %parallel_loop3A_86 = arith.index_cast %parallel_loop3A_83 : i32 to index
        %parallel_loop3A_87 = tpu.vector_load %arg13[%parallel_loop3A_86] {strides = array<i32>} : memref<8000xi32, #tpu.memory_space<vmem>>, vector<16xi32>,
        %parallel_loop3A_88 = arith.index_cast %parallel_loop3A_83 : i32 to index
        %parallel_loop3A_89 = tpu.vector_load %arg14[%parallel_loop3A_88] {strides = array<i32>} : memref<8000xf32, #tpu.memory_space<vmem>>, vector<16xf32>,
        %parallel_loop3A_90 = arith.constant 0 : i32
        %parallel_loop3A_91 = vector.broadcast %parallel_loop3A_90 : i32 to vector<16xi32>
        %parallel_loop3A_92 = arith.addi %parallel_loop3A_85, %parallel_loop3A_91 : vector<16xi32>
        %parallel_loop3A_93 = tpu.vector_load_idx %arg7[%parallel_loop3A_92] : memref<20480xi32, #tpu.memory_space<vmem>>[vector<16xi32>], vector<16xi32>,
        %parallel_loop3A_94 = arith.constant 16 : i32
        %parallel_loop3A_95 = vector.broadcast %parallel_loop3A_94 : i32 to vector<16xi32>
        %parallel_loop3A_96 = arith.shli %parallel_loop3A_93, %parallel_loop3A_95 : vector<16xi32>
        %parallel_loop3A_97 = vector.bitcast %parallel_loop3A_96 : vector<16xi32> to vector<16xf32>
        %parallel_loop3A_98 = arith.constant -65536 : i32
        %parallel_loop3A_99 = vector.broadcast %parallel_loop3A_98 : i32 to vector<16xi32>
        %parallel_loop3A_100 = arith.andi %parallel_loop3A_93, %parallel_loop3A_99 : vector<16xi32>
        %parallel_loop3A_101 = vector.bitcast %parallel_loop3A_100 : vector<16xi32> to vector<16xf32>
        %parallel_loop3A_102 = arith.constant 0 : i32
        %parallel_loop3A_103 = vector.broadcast %parallel_loop3A_102 : i32 to vector<16xi32>
        %parallel_loop3A_104 = arith.addi %parallel_loop3A_87, %parallel_loop3A_103 : vector<16xi32>
        %parallel_loop3A_105 = arith.mulf %parallel_loop3A_97, %parallel_loop3A_89 : vector<16xf32>
        tpu.vector_store_idx %arg8[%parallel_loop3A_104], %parallel_loop3A_105 {add = true} : memref<40960xf32, #tpu.memory_space<vmem>>[vector<16xi32>], vector<16xf32>,
        %parallel_loop3A_106 = arith.constant 10240 : i32
        %parallel_loop3A_107 = vector.broadcast %parallel_loop3A_106 : i32 to vector<16xi32>
        %parallel_loop3A_108 = arith.addi %parallel_loop3A_87, %parallel_loop3A_107 : vector<16xi32>
        %parallel_loop3A_109 = arith.mulf %parallel_loop3A_101, %parallel_loop3A_89 : vector<16xf32>
        tpu.vector_store_idx %arg8[%parallel_loop3A_108], %parallel_loop3A_109 {add = true} : memref<40960xf32, #tpu.memory_space<vmem>>[vector<16xi32>], vector<16xf32>,
        %parallel_loop3A_110 = arith.constant 10240 : i32
        %parallel_loop3A_111 = vector.broadcast %parallel_loop3A_110 : i32 to vector<16xi32>
        %parallel_loop3A_112 = arith.addi %parallel_loop3A_85, %parallel_loop3A_111 : vector<16xi32>
        %parallel_loop3A_113 = tpu.vector_load_idx %arg7[%parallel_loop3A_112] : memref<20480xi32, #tpu.memory_space<vmem>>[vector<16xi32>], vector<16xi32>,
        %parallel_loop3A_114 = arith.constant 16 : i32
        %parallel_loop3A_115 = vector.broadcast %parallel_loop3A_114 : i32 to vector<16xi32>
        %parallel_loop3A_116 = arith.shli %parallel_loop3A_113, %parallel_loop3A_115 : vector<16xi32>
        %parallel_loop3A_117 = vector.bitcast %parallel_loop3A_116 : vector<16xi32> to vector<16xf32>
        %parallel_loop3A_118 = arith.constant -65536 : i32
        %parallel_loop3A_119 = vector.broadcast %parallel_loop3A_118 : i32 to vector<16xi32>
        %parallel_loop3A_120 = arith.andi %parallel_loop3A_113, %parallel_loop3A_119 : vector<16xi32>
        %parallel_loop3A_121 = vector.bitcast %parallel_loop3A_120 : vector<16xi32> to vector<16xf32>
        %parallel_loop3A_122 = arith.constant 20480 : i32
        %parallel_loop3A_123 = vector.broadcast %parallel_loop3A_122 : i32 to vector<16xi32>
        %parallel_loop3A_124 = arith.addi %parallel_loop3A_87, %parallel_loop3A_123 : vector<16xi32>
        %parallel_loop3A_125 = arith.mulf %parallel_loop3A_117, %parallel_loop3A_89 : vector<16xf32>
        tpu.vector_store_idx %arg8[%parallel_loop3A_124], %parallel_loop3A_125 {add = true} : memref<40960xf32, #tpu.memory_space<vmem>>[vector<16xi32>], vector<16xf32>,
        %parallel_loop3A_126 = arith.constant 30720 : i32
        %parallel_loop3A_127 = vector.broadcast %parallel_loop3A_126 : i32 to vector<16xi32>
        %parallel_loop3A_128 = arith.addi %parallel_loop3A_87, %parallel_loop3A_127 : vector<16xi32>
        %parallel_loop3A_129 = arith.mulf %parallel_loop3A_121, %parallel_loop3A_89 : vector<16xf32>
        tpu.vector_store_idx %arg8[%parallel_loop3A_128], %parallel_loop3A_129 {add = true} : memref<40960xf32, #tpu.memory_space<vmem>>[vector<16xi32>], vector<16xf32>,
      } {sc.loop_unroll_factor = 8 : i64, sc.parallel_access}
      %scan3A_80 = arith.constant 0 : i32
      scf.yield %scan3A_80 : i32
    }
    %scan3A_29 = arith.constant 20 : i32
    %mul3A_30 = arith.constant 4 : i32
    %mul3A_31 = arith.muli %add3A, %mul3A_30 : i32
    %mul3A_32 = arith.constant 10240 : i32
    %mul3A_33 = arith.muli %mul3A_31, %mul3A_32 : i32
    "tpu.region"() ({
      %run_scoped3A = tpu.sem_alloc : memref<!tpu.dma_semaphore, #tpu.memory_space<semaphore_mem>>
      %dma_start3A_34 = tpu.memref_slice %arg6[%mul3A_33] : memref<1310720xf32, #tpu.memory_space<hbm>> -> memref<40960xf32, #tpu.memory_space<hbm>>
      %dma_start3A_35 = tpu.memref_slice %arg6[%mul3A_33] : memref<1310720xf32, #tpu.memory_space<hbm>> -> memref<40960xf32, #tpu.memory_space<hbm>>
      tpu.enqueue_dma source(%arg8 : memref<40960xf32, #tpu.memory_space<vmem>>) target(%dma_start3A_35 : memref<40960xf32, #tpu.memory_space<hbm>>) target_semaphore(%run_scoped3A : memref<!tpu.dma_semaphore, #tpu.memory_space<semaphore_mem>>)
      %dma_wait3A = tpu.memref_slice %arg6[%mul3A_33] : memref<1310720xf32, #tpu.memory_space<hbm>> -> memref<40960xf32, #tpu.memory_space<hbm>>
      %dma_wait3A_36 = tpu.memref_slice %arg6[%mul3A_33] : memref<1310720xf32, #tpu.memory_space<hbm>> -> memref<40960xf32, #tpu.memory_space<hbm>>
      tpu.wait_dma2 semaphore(%run_scoped3A : memref<!tpu.dma_semaphore, #tpu.memory_space<semaphore_mem>>) src(%arg8 : memref<40960xf32, #tpu.memory_space<vmem>>) dst(%dma_wait3A_36 : memref<40960xf32, #tpu.memory_space<hbm>>)
      tpu.yield
    }) : () -> ()
    return
  }
}

#map = affine_map<(d0, d1) -> (0)>
module attributes {stable_mosaic.version = 14 : i64} {
  func.func @_sc3_body(%arg0: i32, %arg1: i32, %arg2: memref<10240xf32, #tpu.memory_space<hbm>>, %arg3: memref<320000xi32, #tpu.memory_space<hbm>>, %arg4: memref<320000xi32, #tpu.memory_space<hbm>>, %arg5: memref<320000xf32, #tpu.memory_space<hbm>>, %arg6: memref<327680xf32, #tpu.memory_space<hbm>>, %arg7: memref<10240xf32, #tpu.memory_space<vmem>>, %arg8: memref<2000xi32, #tpu.memory_space<vmem>>, %arg9: memref<2000xi32, #tpu.memory_space<vmem>>, %arg10: memref<2000xf32, #tpu.memory_space<vmem>>, %arg11: memref<10240xf32, #tpu.memory_space<vmem>>) attributes {dimension_semantics = [#tpu.dimension_semantics<core_parallel>, #tpu.dimension_semantics<subcore_parallel>], iteration_bounds = array<i64: 2, 16>, scalar_prefetch = 0 : i64, scratch_operands = 5 : i64, tpu.core_type = #tpu.core_type<sc_vector_subcore>, window_params = [{transform_indices = #map}, {transform_indices = #map}, {transform_indices = #map}, {transform_indices = #map}, {transform_indices = #map}]} {
    %mul3A = arith.constant 2 : i32
    %mul3A_0 = arith.muli %arg1, %mul3A : i32
    %add3A = arith.addi %mul3A_0, %arg0 : i32
    %mul3A_1 = arith.constant 10000 : i32
    %mul3A_2 = arith.muli %add3A, %mul3A_1 : i32
    "tpu.region"() ({
      %run_scoped3A = tpu.sem_alloc : memref<!tpu.dma_semaphore, #tpu.memory_space<semaphore_mem>>
      tpu.enqueue_dma source(%arg2 : memref<10240xf32, #tpu.memory_space<hbm>>) target(%arg7 : memref<10240xf32, #tpu.memory_space<vmem>>) target_semaphore(%run_scoped3A : memref<!tpu.dma_semaphore, #tpu.memory_space<semaphore_mem>>)
      tpu.wait_dma2 semaphore(%run_scoped3A : memref<!tpu.dma_semaphore, #tpu.memory_space<semaphore_mem>>) src(%arg2 : memref<10240xf32, #tpu.memory_space<hbm>>) dst(%arg7 : memref<10240xf32, #tpu.memory_space<vmem>>)
      tpu.yield
    }) : () -> ()
    %broadcast_in_dim3A = arith.constant 0.000000e+00 : f32
    %broadcast_in_dim3A_3 = vector.broadcast %broadcast_in_dim3A : f32 to vector<16xf32>
    %scan3A = arith.constant 0 : i32
    %scan3A_4 = arith.constant 0 : i32
    %scan3A_5 = arith.constant 640 : i32
    %scan3A_6 = arith.addi %scan3A_4, %scan3A_5 : i32
    %scan3A_7 = arith.constant 1 : i32
    %scan3A_8 = scf.for %scan3A_19 = %scan3A_4 to %scan3A_6 step %scan3A_7 iter_args(%scan3A_20 = %scan3A) -> (i32)  : i32 {
      %mul3A_21 = arith.constant 16 : i32
      %mul3A_22 = arith.muli %scan3A_19, %mul3A_21 : i32
      %swap3A = arith.index_cast %mul3A_22 : i32 to index
      %swap3A_23 = tpu.vector_load %arg11[%swap3A] {strides = array<i32>} : memref<10240xf32, #tpu.memory_space<vmem>>, vector<16xf32>,
      tpu.vector_store %arg11[%swap3A], %broadcast_in_dim3A_3 {strides = array<i32>} : memref<10240xf32, #tpu.memory_space<vmem>>, vector<16xf32>,
      %scan3A_24 = arith.constant 0 : i32
      scf.yield %scan3A_24 : i32
    }
    %scan3A_9 = arith.constant 640 : i32
    %scan3A_10 = arith.constant 0 : i32
    %scan3A_11 = arith.constant 0 : i32
    %scan3A_12 = arith.constant 5 : i32
    %scan3A_13 = arith.addi %scan3A_11, %scan3A_12 : i32
    %scan3A_14 = arith.constant 1 : i32
    %scan3A_15 = scf.for %scan3A_19 = %scan3A_11 to %scan3A_13 step %scan3A_14 iter_args(%scan3A_20 = %scan3A_10) -> (i32)  : i32 {
      %mul3A_21 = arith.constant 2000 : i32
      %mul3A_22 = arith.muli %scan3A_19, %mul3A_21 : i32
      %add3A_23 = arith.addi %mul3A_2, %mul3A_22 : i32
      "tpu.region"() ({
        %run_scoped3A = tpu.sem_alloc : memref<!tpu.dma_semaphore, #tpu.memory_space<semaphore_mem>>
        %dma_start3A = tpu.memref_slice %arg3[%add3A_23] : memref<320000xi32, #tpu.memory_space<hbm>> -> memref<2000xi32, #tpu.memory_space<hbm>>
        %dma_start3A_27 = tpu.memref_slice %arg3[%add3A_23] : memref<320000xi32, #tpu.memory_space<hbm>> -> memref<2000xi32, #tpu.memory_space<hbm>>
        tpu.enqueue_dma source(%dma_start3A_27 : memref<2000xi32, #tpu.memory_space<hbm>>) target(%arg8 : memref<2000xi32, #tpu.memory_space<vmem>>) target_semaphore(%run_scoped3A : memref<!tpu.dma_semaphore, #tpu.memory_space<semaphore_mem>>)
        %dma_wait3A = tpu.memref_slice %arg3[%add3A_23] : memref<320000xi32, #tpu.memory_space<hbm>> -> memref<2000xi32, #tpu.memory_space<hbm>>
        %dma_wait3A_28 = tpu.memref_slice %arg3[%add3A_23] : memref<320000xi32, #tpu.memory_space<hbm>> -> memref<2000xi32, #tpu.memory_space<hbm>>
        tpu.wait_dma2 semaphore(%run_scoped3A : memref<!tpu.dma_semaphore, #tpu.memory_space<semaphore_mem>>) src(%dma_wait3A_28 : memref<2000xi32, #tpu.memory_space<hbm>>) dst(%arg8 : memref<2000xi32, #tpu.memory_space<vmem>>)
        tpu.yield
      }) : () -> ()
      "tpu.region"() ({
        %run_scoped3A = tpu.sem_alloc : memref<!tpu.dma_semaphore, #tpu.memory_space<semaphore_mem>>
        %dma_start3A = tpu.memref_slice %arg4[%add3A_23] : memref<320000xi32, #tpu.memory_space<hbm>> -> memref<2000xi32, #tpu.memory_space<hbm>>
        %dma_start3A_27 = tpu.memref_slice %arg4[%add3A_23] : memref<320000xi32, #tpu.memory_space<hbm>> -> memref<2000xi32, #tpu.memory_space<hbm>>
        tpu.enqueue_dma source(%dma_start3A_27 : memref<2000xi32, #tpu.memory_space<hbm>>) target(%arg9 : memref<2000xi32, #tpu.memory_space<vmem>>) target_semaphore(%run_scoped3A : memref<!tpu.dma_semaphore, #tpu.memory_space<semaphore_mem>>)
        %dma_wait3A = tpu.memref_slice %arg4[%add3A_23] : memref<320000xi32, #tpu.memory_space<hbm>> -> memref<2000xi32, #tpu.memory_space<hbm>>
        %dma_wait3A_28 = tpu.memref_slice %arg4[%add3A_23] : memref<320000xi32, #tpu.memory_space<hbm>> -> memref<2000xi32, #tpu.memory_space<hbm>>
        tpu.wait_dma2 semaphore(%run_scoped3A : memref<!tpu.dma_semaphore, #tpu.memory_space<semaphore_mem>>) src(%dma_wait3A_28 : memref<2000xi32, #tpu.memory_space<hbm>>) dst(%arg9 : memref<2000xi32, #tpu.memory_space<vmem>>)
        tpu.yield
      }) : () -> ()
      "tpu.region"() ({
        %run_scoped3A = tpu.sem_alloc : memref<!tpu.dma_semaphore, #tpu.memory_space<semaphore_mem>>
        %dma_start3A = tpu.memref_slice %arg5[%add3A_23] : memref<320000xf32, #tpu.memory_space<hbm>> -> memref<2000xf32, #tpu.memory_space<hbm>>
        %dma_start3A_27 = tpu.memref_slice %arg5[%add3A_23] : memref<320000xf32, #tpu.memory_space<hbm>> -> memref<2000xf32, #tpu.memory_space<hbm>>
        tpu.enqueue_dma source(%dma_start3A_27 : memref<2000xf32, #tpu.memory_space<hbm>>) target(%arg10 : memref<2000xf32, #tpu.memory_space<vmem>>) target_semaphore(%run_scoped3A : memref<!tpu.dma_semaphore, #tpu.memory_space<semaphore_mem>>)
        %dma_wait3A = tpu.memref_slice %arg5[%add3A_23] : memref<320000xf32, #tpu.memory_space<hbm>> -> memref<2000xf32, #tpu.memory_space<hbm>>
        %dma_wait3A_28 = tpu.memref_slice %arg5[%add3A_23] : memref<320000xf32, #tpu.memory_space<hbm>> -> memref<2000xf32, #tpu.memory_space<hbm>>
        tpu.wait_dma2 semaphore(%run_scoped3A : memref<!tpu.dma_semaphore, #tpu.memory_space<semaphore_mem>>) src(%dma_wait3A_28 : memref<2000xf32, #tpu.memory_space<hbm>>) dst(%arg10 : memref<2000xf32, #tpu.memory_space<vmem>>)
        tpu.yield
      }) : () -> ()
      %parallel_loop3A = arith.constant 0 : i32
      %parallel_loop3A_24 = arith.constant 125 : i32
      %parallel_loop3A_25 = arith.constant 1 : i32
      scf.for %parallel_loop3A_27 = %parallel_loop3A to %parallel_loop3A_24 step %parallel_loop3A_25  : i32 {
        %parallel_loop3A_28 = arith.constant 16 : i32
        %parallel_loop3A_29 = arith.muli %parallel_loop3A_27, %parallel_loop3A_28 : i32
        %parallel_loop3A_30 = arith.index_cast %parallel_loop3A_29 : i32 to index
        %parallel_loop3A_31 = tpu.vector_load %arg8[%parallel_loop3A_30] {strides = array<i32>} : memref<2000xi32, #tpu.memory_space<vmem>>, vector<16xi32>,
        %parallel_loop3A_32 = arith.index_cast %parallel_loop3A_29 : i32 to index
        %parallel_loop3A_33 = tpu.vector_load %arg9[%parallel_loop3A_32] {strides = array<i32>} : memref<2000xi32, #tpu.memory_space<vmem>>, vector<16xi32>,
        %parallel_loop3A_34 = arith.index_cast %parallel_loop3A_29 : i32 to index
        %parallel_loop3A_35 = tpu.vector_load %arg10[%parallel_loop3A_34] {strides = array<i32>} : memref<2000xf32, #tpu.memory_space<vmem>>, vector<16xf32>,
        %parallel_loop3A_36 = tpu.vector_load_idx %arg7[%parallel_loop3A_33] : memref<10240xf32, #tpu.memory_space<vmem>>[vector<16xi32>], vector<16xf32>,
        %parallel_loop3A_37 = arith.mulf %parallel_loop3A_35, %parallel_loop3A_36 : vector<16xf32>
        tpu.vector_store_idx %arg11[%parallel_loop3A_31], %parallel_loop3A_37 {add = true} : memref<10240xf32, #tpu.memory_space<vmem>>[vector<16xi32>], vector<16xf32>,
      } {sc.loop_unroll_factor = 8 : i64, sc.parallel_access}
      %scan3A_26 = arith.constant 0 : i32
      scf.yield %scan3A_26 : i32
    }
    %scan3A_16 = arith.constant 5 : i32
    %mul3A_17 = arith.constant 10240 : i32
    %mul3A_18 = arith.muli %add3A, %mul3A_17 : i32
    "tpu.region"() ({
      %run_scoped3A = tpu.sem_alloc : memref<!tpu.dma_semaphore, #tpu.memory_space<semaphore_mem>>
      %dma_start3A = tpu.memref_slice %arg6[%mul3A_18] : memref<327680xf32, #tpu.memory_space<hbm>> -> memref<10240xf32, #tpu.memory_space<hbm>>
      %dma_start3A_19 = tpu.memref_slice %arg6[%mul3A_18] : memref<327680xf32, #tpu.memory_space<hbm>> -> memref<10240xf32, #tpu.memory_space<hbm>>
      tpu.enqueue_dma source(%arg11 : memref<10240xf32, #tpu.memory_space<vmem>>) target(%dma_start3A_19 : memref<10240xf32, #tpu.memory_space<hbm>>) target_semaphore(%run_scoped3A : memref<!tpu.dma_semaphore, #tpu.memory_space<semaphore_mem>>)
      %dma_wait3A = tpu.memref_slice %arg6[%mul3A_18] : memref<327680xf32, #tpu.memory_space<hbm>> -> memref<10240xf32, #tpu.memory_space<hbm>>
      %dma_wait3A_20 = tpu.memref_slice %arg6[%mul3A_18] : memref<327680xf32, #tpu.memory_space<hbm>> -> memref<10240xf32, #tpu.memory_space<hbm>>
      tpu.wait_dma2 semaphore(%run_scoped3A : memref<!tpu.dma_semaphore, #tpu.memory_space<semaphore_mem>>) src(%arg11 : memref<10240xf32, #tpu.memory_space<vmem>>) dst(%dma_wait3A_20 : memref<10240xf32, #tpu.memory_space<hbm>>)
      tpu.yield
    }) : () -> ()
    return
  }
}

module attributes {stable_mosaic.version = 14 : i64} {
  func.func @_tc1_body(%arg0: i32, %arg1: memref<1024x128xf32, #tpu.memory_space<vmem>>, %arg2: memref<128x128xf32, #tpu.memory_space<vmem>>, %arg3: memref<1x128xf32, #tpu.memory_space<vmem>>, %arg4: memref<1024x128xf32, #tpu.memory_space<vmem>>) attributes {dimension_semantics = [#tpu.dimension_semantics<arbitrary>], iteration_bounds = array<i64: 10>, scalar_prefetch = 0 : i64, scratch_operands = 0 : i64, tpu.core_type = #tpu.core_type<tc>, window_params = [{transform_indices = @transform_0, window_bounds = array<i64: 1024, 128>}, {pipeline_mode = #tpu.pipeline_mode<synchronous>, transform_indices = @transform_1, window_bounds = array<i64: 128, 128>}, {pipeline_mode = #tpu.pipeline_mode<synchronous>, transform_indices = @transform_2, window_bounds = array<i64: 1, 128>}, {transform_indices = @transform_3, window_bounds = array<i64: 1024, 128>}]} {
    %get3A = arith.constant 0 : index
    %get3A_0 = arith.constant 0 : index
    %get3A_1 = vector.load %arg1[%get3A, %get3A_0] : memref<1024x128xf32, #tpu.memory_space<vmem>>, vector<1024x128xf32>
    %get3A_2 = arith.constant 0 : index
    %get3A_3 = arith.constant 0 : index
    %get3A_4 = vector.load %arg2[%get3A_2, %get3A_3] : memref<128x128xf32, #tpu.memory_space<vmem>>, vector<128x128xf32>
    %dot_general3A = arith.constant dense<0.000000e+00> : vector<1024x128xf32>
    %dot_general3A_5 = tpu.matmul %get3A_1, %get3A_4, %dot_general3A {dimension_numbers = #tpu.dot_dimension_numbers<[1], [0], [0], [1], [0, 0, 1, 1], [], []>, transpose_lhs_hint = false} : vector<1024x128xf32>, vector<128x128xf32>, vector<1024x128xf32> -> vector<1024x128xf32>
    %get3A_6 = arith.constant 0 : index
    %get3A_7 = arith.constant 0 : index
    %get3A_8 = vector.load %arg3[%get3A_6, %get3A_7] : memref<1x128xf32, #tpu.memory_space<vmem>>, vector<1x128xf32>
    %add3A = vector.broadcast %get3A_8 : vector<1x128xf32> to vector<1024x128xf32>
    %add3A_9 = arith.addf %dot_general3A_5, %add3A : vector<1024x128xf32>
    %swap3A = arith.constant 0 : index
    %swap3A_10 = arith.constant 0 : index
    %swap3A_11 = vector.load %arg4[%swap3A, %swap3A_10] : memref<1024x128xf32, #tpu.memory_space<vmem>>, vector<1024x128xf32>
    tpu.vector_store %arg4[%swap3A, %swap3A_10], %add3A_9 {strides = array<i32>} : memref<1024x128xf32, #tpu.memory_space<vmem>>, vector<1024x128xf32>,
    return
  }
  func.func @transform_0(%arg0: i32) -> (i32, i32) {
    %c0_i32 = arith.constant 0 : i32
    %c0_i32_0 = arith.constant 0 : i32
    return %arg0, %c0_i32 : i32, i32
  }
  func.func @transform_1(%arg0: i32) -> (i32, i32) {
    %c0_i32 = arith.constant 0 : i32
    %c0_i32_0 = arith.constant 0 : i32
    %c0_i32_1 = arith.constant 0 : i32
    return %c0_i32, %c0_i32_0 : i32, i32
  }
  func.func @transform_2(%arg0: i32) -> (i32, i32) {
    %c0_i32 = arith.constant 0 : i32
    %c0_i32_0 = arith.constant 0 : i32
    %c0_i32_1 = arith.constant 0 : i32
    return %c0_i32, %c0_i32_0 : i32, i32
  }
  func.func @transform_3(%arg0: i32) -> (i32, i32) {
    %c0_i32 = arith.constant 0 : i32
    %c0_i32_0 = arith.constant 0 : i32
    return %arg0, %c0_i32 : i32, i32
  }
}

module attributes {stable_mosaic.version = 14 : i64} {
  func.func @_tc2_body(%arg0: i32, %arg1: memref<1024x128xf32, #tpu.memory_space<vmem>>, %arg2: memref<2x32x1024xf32, #tpu.memory_space<vmem>>, %arg3: memref<128x128xf32, #tpu.memory_space<vmem>>, %arg4: memref<64x1024xi32, #tpu.memory_space<vmem>>, %arg5: memref<2x1024xf32, #tpu.memory_space<vmem>>) attributes {dimension_semantics = [#tpu.dimension_semantics<arbitrary>], iteration_bounds = array<i64: 10>, scalar_prefetch = 0 : i64, scratch_operands = 0 : i64, tpu.core_type = #tpu.core_type<tc>, window_params = [{transform_indices = @transform_0, window_bounds = array<i64: 1024, 128>}, {transform_indices = @transform_1, window_bounds = array<i64: 2, 32, 1024>}, {pipeline_mode = #tpu.pipeline_mode<synchronous>, transform_indices = @transform_2, window_bounds = array<i64: 128, 128>}, {transform_indices = @transform_3, window_bounds = array<i64: 64, 1024>}, {transform_indices = @transform_4, window_bounds = array<i64: 2, 1024>}]} {
    %get3A = arith.constant 0 : index
    %get3A_0 = arith.constant 0 : index
    %get3A_1 = vector.load %arg1[%get3A, %get3A_0] : memref<1024x128xf32, #tpu.memory_space<vmem>>, vector<1024x128xf32>
    %get3A_2 = arith.constant 0 : index
    %get3A_3 = arith.constant 0 : index
    %get3A_4 = arith.constant 0 : index
    %get3A_5 = vector.load %arg2[%get3A_2, %get3A_3, %get3A_4] : memref<2x32x1024xf32, #tpu.memory_space<vmem>>, vector<2x32x1024xf32>
    %reduce_sum3A = arith.constant dense<0.000000e+00> : vector<2x1024xf32>
    %reduce_sum3A_6 = vector.multi_reduction <add>, %get3A_5, %reduce_sum3A [1] : vector<2x32x1024xf32> to vector<2x1024xf32>
    %gt3A = arith.constant 0.000000e+00 : f32
    %gt3A_7 = vector.broadcast %gt3A : f32 to vector<2x1024xf32>
    %gt3A_8 = arith.cmpf ogt, %reduce_sum3A_6, %gt3A_7 : vector<2x1024xf32>
    %max3A = arith.constant 9.99999996E-13 : f32
    %max3A_9 = vector.broadcast %max3A : f32 to vector<2x1024xf32>
    %max3A_10 = arith.maximumf %reduce_sum3A_6, %max3A_9 : vector<2x1024xf32>
    %rsqrt3A = math.rsqrt %max3A_10 : vector<2x1024xf32>
    %jit3A = arith.constant 0.000000e+00 : f32
    %broadcast_in_dim3A = vector.broadcast %jit3A : f32 to vector<2x1024xf32>
    %select_n3A = arith.select %gt3A_8, %rsqrt3A, %broadcast_in_dim3A : vector<2x1024xi1>, vector<2x1024xf32>
    %swap3A = arith.constant 0 : index
    %swap3A_11 = arith.constant 0 : index
    %swap3A_12 = vector.load %arg5[%swap3A, %swap3A_11] : memref<2x1024xf32, #tpu.memory_space<vmem>>, vector<2x1024xf32>
    tpu.vector_store %arg5[%swap3A, %swap3A_11], %select_n3A {strides = array<i32>} : memref<2x1024xf32, #tpu.memory_space<vmem>>, vector<2x1024xf32>,
    %slice3A = vector.extract_strided_slice %select_n3A {offsets = [0, 0], sizes = [1, 1024], strides = [1, 1]} : vector<2x1024xf32> to vector<1x1024xf32>
    %squeeze3A = vector.shape_cast %slice3A : vector<1x1024xf32> to vector<1024xf32>
    %broadcast_in_dim3A_13 = vector.shape_cast %squeeze3A : vector<1024xf32> to vector<1024x1xf32>
    %mul3A = vector.broadcast %broadcast_in_dim3A_13 : vector<1024x1xf32> to vector<1024x128xf32>
    %mul3A_14 = arith.mulf %get3A_1, %mul3A : vector<1024x128xf32>
    %get3A_15 = arith.constant 0 : index
    %get3A_16 = arith.constant 0 : index
    %get3A_17 = vector.load %arg3[%get3A_15, %get3A_16] : memref<128x128xf32, #tpu.memory_space<vmem>>, vector<128x128xf32>
    %dot_general3A = arith.constant dense<0.000000e+00> : vector<128x1024xf32>
    %dot_general3A_18 = tpu.matmul %get3A_17, %mul3A_14, %dot_general3A {dimension_numbers = #tpu.dot_dimension_numbers<[0], [1], [1], [0], [0, 1, 1, 0], [], []>, transpose_lhs_hint = false} : vector<128x128xf32>, vector<1024x128xf32>, vector<128x1024xf32> -> vector<128x1024xf32>
    %reshape3A = vector.shape_cast %dot_general3A_18 : vector<128x1024xf32> to vector<64x2x1024xf32>
    %slice3A_19 = vector.extract_strided_slice %reshape3A {offsets = [0, 0, 0], sizes = [64, 1, 1024], strides = [1, 1, 1]} : vector<64x2x1024xf32> to vector<64x1x1024xf32>
    %squeeze3A_20 = vector.shape_cast %slice3A_19 : vector<64x1x1024xf32> to vector<64x1024xf32>
    %convert_element_type3A = arith.truncf %squeeze3A_20 : vector<64x1024xf32> to vector<64x1024xbf16>
    %bitcast_convert_type3A = tpu.bitcast %convert_element_type3A : vector<64x1024xbf16> -> vector<64x1024xi16>
    %convert_element_type3A_21 = arith.extui %bitcast_convert_type3A : vector<64x1024xi16> to vector<64x1024xi32>
    %slice3A_22 = vector.extract_strided_slice %reshape3A {offsets = [0, 1, 0], sizes = [64, 1, 1024], strides = [1, 1, 1]} : vector<64x2x1024xf32> to vector<64x1x1024xf32>
    %squeeze3A_23 = vector.shape_cast %slice3A_22 : vector<64x1x1024xf32> to vector<64x1024xf32>
    %convert_element_type3A_24 = arith.truncf %squeeze3A_23 : vector<64x1024xf32> to vector<64x1024xbf16>
    %bitcast_convert_type3A_25 = tpu.bitcast %convert_element_type3A_24 : vector<64x1024xbf16> -> vector<64x1024xi16>
    %convert_element_type3A_26 = arith.extui %bitcast_convert_type3A_25 : vector<64x1024xi16> to vector<64x1024xi32>
    %shift_left3A = arith.constant 16 : i32
    %shift_left3A_27 = vector.broadcast %shift_left3A : i32 to vector<64x1024xi32>
    %shift_left3A_28 = arith.shli %convert_element_type3A_26, %shift_left3A_27 : vector<64x1024xi32>
    %or3A = arith.ori %convert_element_type3A_21, %shift_left3A_28 : vector<64x1024xi32>
    %bitcast_convert_type3A_29 = tpu.bitcast %or3A : vector<64x1024xi32> -> vector<64x1024xi32>
    %swap3A_30 = arith.constant 0 : index
    %swap3A_31 = arith.constant 0 : index
    %swap3A_32 = vector.load %arg4[%swap3A_30, %swap3A_31] : memref<64x1024xi32, #tpu.memory_space<vmem>>, vector<64x1024xi32>
    tpu.vector_store %arg4[%swap3A_30, %swap3A_31], %bitcast_convert_type3A_29 {strides = array<i32>} : memref<64x1024xi32, #tpu.memory_space<vmem>>, vector<64x1024xi32>,
    return
  }
  func.func @transform_0(%arg0: i32) -> (i32, i32) {
    %c0_i32 = arith.constant 0 : i32
    %c0_i32_0 = arith.constant 0 : i32
    return %arg0, %c0_i32 : i32, i32
  }
  func.func @transform_1(%arg0: i32) -> (i32, i32, i32) {
    %c0_i32 = arith.constant 0 : i32
    %c0_i32_0 = arith.constant 0 : i32
    %c0_i32_1 = arith.constant 0 : i32
    return %c0_i32, %c0_i32_0, %arg0 : i32, i32, i32
  }
  func.func @transform_2(%arg0: i32) -> (i32, i32) {
    %c0_i32 = arith.constant 0 : i32
    %c0_i32_0 = arith.constant 0 : i32
    %c0_i32_1 = arith.constant 0 : i32
    return %c0_i32, %c0_i32_0 : i32, i32
  }
  func.func @transform_3(%arg0: i32) -> (i32, i32) {
    %c0_i32 = arith.constant 0 : i32
    %c0_i32_0 = arith.constant 0 : i32
    return %c0_i32, %arg0 : i32, i32
  }
  func.func @transform_4(%arg0: i32) -> (i32, i32) {
    %c0_i32 = arith.constant 0 : i32
    %c0_i32_0 = arith.constant 0 : i32
    return %c0_i32, %arg0 : i32, i32
  }
}

module attributes {stable_mosaic.version = 14 : i64} {
  func.func @_tc3_body(%arg0: i32, %arg1: memref<128x1024xf32, #tpu.memory_space<vmem>>, %arg2: memref<2x1024xf32, #tpu.memory_space<vmem>>, %arg3: memref<128x1xf32, #tpu.memory_space<vmem>>, %arg4: memref<128x64xf32, #tpu.memory_space<vmem>>, %arg5: memref<32x1024xf32, #tpu.memory_space<vmem>>, %arg6: memref<1x64xf32, #tpu.memory_space<vmem>>, %arg7: memref<1x64xf32, #tpu.memory_space<vmem>>) attributes {dimension_semantics = [#tpu.dimension_semantics<arbitrary>], iteration_bounds = array<i64: 10>, scalar_prefetch = 0 : i64, scratch_operands = 0 : i64, tpu.core_type = #tpu.core_type<tc>, window_params = [{transform_indices = @transform_0, window_bounds = array<i64: 128, 1024>}, {transform_indices = @transform_1, window_bounds = array<i64: 2, 1024>}, {pipeline_mode = #tpu.pipeline_mode<synchronous>, transform_indices = @transform_2, window_bounds = array<i64: 128, 1>}, {pipeline_mode = #tpu.pipeline_mode<synchronous>, transform_indices = @transform_3, window_bounds = array<i64: 128, 64>}, {transform_indices = @transform_4, window_bounds = array<i64: 32, 1024>}, {pipeline_mode = #tpu.pipeline_mode<synchronous>, transform_indices = @transform_5, window_bounds = array<i64: 1, 64>}, {pipeline_mode = #tpu.pipeline_mode<synchronous>, transform_indices = @transform_6, window_bounds = array<i64: 1, 64>}]} {
    %get3A = arith.constant 1 : index
    %get3A_0 = arith.constant 0 : index
    %get3A_1 = vector.load %arg2[%get3A, %get3A_0] : memref<2x1024xf32, #tpu.memory_space<vmem>>, vector<1x1024xf32>
    %get3A_2 = arith.constant 0 : index
    %get3A_3 = arith.constant 0 : index
    %get3A_4 = vector.load %arg2[%get3A_2, %get3A_3] : memref<2x1024xf32, #tpu.memory_space<vmem>>, vector<1x1024xf32>
    %get3A_5 = arith.constant 0 : index
    %get3A_6 = arith.constant 0 : index
    %get3A_7 = vector.load %arg1[%get3A_5, %get3A_6] : memref<128x1024xf32, #tpu.memory_space<vmem>>, vector<128x1024xf32>
    %mul3A = vector.broadcast %get3A_1 : vector<1x1024xf32> to vector<128x1024xf32>
    %mul3A_8 = arith.mulf %get3A_7, %mul3A : vector<128x1024xf32>
    %get3A_9 = arith.constant 0 : index
    %get3A_10 = arith.constant 0 : index
    %get3A_11 = vector.load %arg3[%get3A_9, %get3A_10] : memref<128x1xf32, #tpu.memory_space<vmem>>, vector<128x1xf32>
    %add3A = vector.broadcast %get3A_11 : vector<128x1xf32> to vector<128x1024xf32>
    %add3A_12 = arith.addf %mul3A_8, %add3A : vector<128x1024xf32>
    %max3A = arith.constant 0.000000e+00 : f32
    %max3A_13 = vector.broadcast %max3A : f32 to vector<128x1024xf32>
    %max3A_14 = arith.maximumf %add3A_12, %max3A_13 : vector<128x1024xf32>
    %mul3A_15 = vector.broadcast %get3A_4 : vector<1x1024xf32> to vector<128x1024xf32>
    %mul3A_16 = arith.mulf %max3A_14, %mul3A_15 : vector<128x1024xf32>
    %get3A_17 = arith.constant 0 : index
    %get3A_18 = arith.constant 0 : index
    %get3A_19 = vector.load %arg4[%get3A_17, %get3A_18] : memref<128x64xf32, #tpu.memory_space<vmem>>, vector<128x64xf32>
    %dot_general3A = arith.constant dense<0.000000e+00> : vector<64x1024xf32>
    %dot_general3A_20 = tpu.matmul %get3A_19, %mul3A_16, %dot_general3A {dimension_numbers = #tpu.dot_dimension_numbers<[0], [0], [1], [1], [0, 1, 1, 1], [], []>, transpose_lhs_hint = false} : vector<128x64xf32>, vector<128x1024xf32>, vector<64x1024xf32> -> vector<64x1024xf32>
    %get3A_21 = arith.constant 0 : index
    %get3A_22 = arith.constant 0 : index
    %get3A_23 = vector.load %arg5[%get3A_21, %get3A_22] : memref<32x1024xf32, #tpu.memory_space<vmem>>, vector<32x1024xf32>
    %reduce_sum3A = arith.constant dense<0.000000e+00> : vector<1024xf32>
    %reduce_sum3A_24 = vector.multi_reduction <add>, %get3A_23, %reduce_sum3A [0] : vector<32x1024xf32> to vector<1024xf32>
    %broadcast_in_dim3A = vector.shape_cast %reduce_sum3A_24 : vector<1024xf32> to vector<1x1024xf32>
    %dot_general3A_25 = arith.constant dense<0.000000e+00> : vector<1x64xf32>
    %dot_general3A_26 = tpu.matmul %broadcast_in_dim3A, %dot_general3A_20, %dot_general3A_25 {dimension_numbers = #tpu.dot_dimension_numbers<[1], [1], [0], [0], [0, 0, 1, 0], [], []>, transpose_lhs_hint = false} : vector<1x1024xf32>, vector<64x1024xf32>, vector<1x64xf32> -> vector<1x64xf32>
    %eq3A = arith.constant 0 : i32
    %eq3A_27 = arith.cmpi eq, %arg0, %eq3A : i32
    %convert_element_type3A = arith.extui %eq3A_27 : i1 to i32
    %cond3A = arith.constant 0 : i32
    %cond3A_28 = arith.cmpi ne, %convert_element_type3A, %cond3A : i32
    scf.if %cond3A_28 {
      %broadcast_in_dim3A_40 = arith.constant 0.000000e+00 : f32
      %broadcast_in_dim3A_41 = vector.broadcast %broadcast_in_dim3A_40 : f32 to vector<1x64xf32>
      %swap3A_42 = arith.constant 0 : index
      %swap3A_43 = arith.constant 0 : index
      %swap3A_44 = vector.load %arg7[%swap3A_42, %swap3A_43] : memref<1x64xf32, #tpu.memory_space<vmem>>, vector<1x64xf32>
      tpu.vector_store %arg7[%swap3A_42, %swap3A_43], %broadcast_in_dim3A_41 {strides = array<i32>} : memref<1x64xf32, #tpu.memory_space<vmem>>, vector<1x64xf32>,
    } else {
    }
    %get3A_29 = arith.constant 0 : index
    %get3A_30 = arith.constant 0 : index
    %get3A_31 = vector.load %arg7[%get3A_29, %get3A_30] : memref<1x64xf32, #tpu.memory_space<vmem>>, vector<1x64xf32>
    %add3A_32 = arith.addf %get3A_31, %dot_general3A_26 : vector<1x64xf32>
    %swap3A = arith.constant 0 : index
    %swap3A_33 = arith.constant 0 : index
    %swap3A_34 = vector.load %arg7[%swap3A, %swap3A_33] : memref<1x64xf32, #tpu.memory_space<vmem>>, vector<1x64xf32>
    tpu.vector_store %arg7[%swap3A, %swap3A_33], %add3A_32 {strides = array<i32>} : memref<1x64xf32, #tpu.memory_space<vmem>>, vector<1x64xf32>,
    %eq3A_35 = arith.constant 9 : i32
    %eq3A_36 = arith.cmpi eq, %arg0, %eq3A_35 : i32
    %convert_element_type3A_37 = arith.extui %eq3A_36 : i1 to i32
    %cond3A_38 = arith.constant 0 : i32
    %cond3A_39 = arith.cmpi ne, %convert_element_type3A_37, %cond3A_38 : i32
    scf.if %cond3A_39 {
      %get3A_40 = arith.constant 0 : index
      %get3A_41 = arith.constant 0 : index
      %get3A_42 = vector.load %arg7[%get3A_40, %get3A_41] : memref<1x64xf32, #tpu.memory_space<vmem>>, vector<1x64xf32>
      %mul3A_43 = arith.constant 9.99999974E-5 : f32
      %mul3A_44 = vector.broadcast %mul3A_43 : f32 to vector<1x64xf32>
      %mul3A_45 = arith.mulf %get3A_42, %mul3A_44 : vector<1x64xf32>
      %get3A_46 = arith.constant 0 : index
      %get3A_47 = arith.constant 0 : index
      %get3A_48 = vector.load %arg6[%get3A_46, %get3A_47] : memref<1x64xf32, #tpu.memory_space<vmem>>, vector<1x64xf32>
      %add3A_49 = arith.addf %mul3A_45, %get3A_48 : vector<1x64xf32>
      %swap3A_50 = arith.constant 0 : index
      %swap3A_51 = arith.constant 0 : index
      %swap3A_52 = vector.load %arg7[%swap3A_50, %swap3A_51] : memref<1x64xf32, #tpu.memory_space<vmem>>, vector<1x64xf32>
      tpu.vector_store %arg7[%swap3A_50, %swap3A_51], %add3A_49 {strides = array<i32>} : memref<1x64xf32, #tpu.memory_space<vmem>>, vector<1x64xf32>,
    } else {
    }
    return
  }
  func.func @transform_0(%arg0: i32) -> (i32, i32) {
    %c0_i32 = arith.constant 0 : i32
    %c0_i32_0 = arith.constant 0 : i32
    return %c0_i32, %arg0 : i32, i32
  }
  func.func @transform_1(%arg0: i32) -> (i32, i32) {
    %c0_i32 = arith.constant 0 : i32
    %c0_i32_0 = arith.constant 0 : i32
    return %c0_i32, %arg0 : i32, i32
  }
  func.func @transform_2(%arg0: i32) -> (i32, i32) {
    %c0_i32 = arith.constant 0 : i32
    %c0_i32_0 = arith.constant 0 : i32
    %c0_i32_1 = arith.constant 0 : i32
    return %c0_i32, %c0_i32_0 : i32, i32
  }
  func.func @transform_3(%arg0: i32) -> (i32, i32) {
    %c0_i32 = arith.constant 0 : i32
    %c0_i32_0 = arith.constant 0 : i32
    %c0_i32_1 = arith.constant 0 : i32
    return %c0_i32, %c0_i32_0 : i32, i32
  }
  func.func @transform_4(%arg0: i32) -> (i32, i32) {
    %c0_i32 = arith.constant 0 : i32
    %c0_i32_0 = arith.constant 0 : i32
    return %c0_i32, %arg0 : i32, i32
  }
  func.func @transform_5(%arg0: i32) -> (i32, i32) {
    %c0_i32 = arith.constant 0 : i32
    %c0_i32_0 = arith.constant 0 : i32
    %c0_i32_1 = arith.constant 0 : i32
    return %c0_i32, %c0_i32_0 : i32, i32
  }
  func.func @transform_6(%arg0: i32) -> (i32, i32) {
    %c0_i32 = arith.constant 0 : i32
    %c0_i32_0 = arith.constant 0 : i32
    %c0_i32_1 = arith.constant 0 : i32
    return %c0_i32, %c0_i32_0 : i32, i32
  }
}

</mosaic_0001>

<sc_bundles>
// kernel: kernel.11.cloned.1.call-start
scs
__scs_entry_jumppad:
0x0: {  	(pc) =	sbr.rel $0x88, $3  }
0x1: {  	(tag) =	ssettag $0x0;
	lr =	simm.s32 $0x1  }
0x2: {  	[smem:$0x3F98] =	sst lr;
	_ =	strace $0xD0000000  }
0x3: {  	_ = 	snop  }
0x4: {  	_ = 	snop  }
0x5: {  	_ = 	snop  }
0x6: {  	_ = 	snop  }
0x7: {  	_ = 	snop  }
__scs_overlays_trampoline_lowered:
0x8: {  	[smem:$0x3FA7] =	sst s0  }
0x9: {  	[smem:$0x3FA8] =	sst s1  }
0xa: {  	[smem:$0x3FA9] =	sst s2  }
0xb: {  	[smem:$0x3FAA] =	sst s3  }
0xc: {  	[smem:$0x3FAB] =	sst s4  }
0xd: {  	[smem:$0x3FAC] =	sst s5  }
0xe: {  	[smem:$0x3FAD] =	sst s6  }
0xf: {  	[smem:$0x3FAE] =	sst s7  }
0x10: {  	[smem:$0x3FAF] =	sst s8  }
0x11: {  	[smem:$0x3FB0] =	sst s9;
	s0 =	simm.s32 @!p0 $0x0  }
0x12: {  	s1 =	sld [smem:$0x3F96];
	s0 =	simm.s32 @p0 $0x1  }
0x13: {  	[smem:$0x3FB1] =	sst s0;
	s0 =	simm.s32 @!p1 $0x0  }
0x14: {  	s2 =	sld [smem:$0x3F95];
	s0 =	simm.s32 @p1 $0x1  }
0x15: {  	[smem:$0x3FB2] =	sst s0;
	s0 =	simm.s32 @!p2 $0x0  }
0x16: {  	s3 =	sld [smem:$0x3FDB];
	s0 =	simm.s32 @p2 $0x1  }
0x17: {  	s4 =	simm.s32 $0x1BF5;
	[smem:$0x3FB4] =	sst s0  }
0x18: {  	s0 =	sld [smem:$0x3F97];
	_ =	swait.ge [sflag:s4], $0x0  }
0x19: {  	s7 =	sld [smem:$0x3F98]  }
0x1a: {  	s8 =	sadd.s32 $0xFFFFE003, lr  }
0x1b: {  	s9 =	sadd.s32 $0xFFFFFEF7, lr;
	s5 =	simm.s32 $0xFFFFFFFF;
	p2 =	slt.u32 s8, $0xFFFFF086  }
0x1c: {  	p1 =	slt.u32 s9, $0xF7A;
	s5 =	simm.s32 @!p2 $0x0  }
0x1d: {  	s5 =	simm.s32 @p1 $0x1;
	p0 =	seq.s32 s7, s2  }
0x1e: {  	s7 =	smul.u32 @!p0 $0xF7A, s2;
	p2 =	seq.s32 @!p0 s5, $0x0  }
0x1f: {  	s9 =	smul.u32 $0xF7A, s1;
	s8 =	simm.s32 @!p0 $0x1BF5;
	p2 =	por !p2, p0  }
0x20: {  	[sflag:s8] =	ssyncset.s32 @!p0 $0xFFFFF086;
	s6 =	sadd.s32 @!p0 s3, s7;
	s7 =	simm.s32 @!p0 $0x108  }
0x21: {  	s3 =	sadd.s32 s3, s9;
	s6 =	sadd.s32 @!p0 $0x88, s6;
	s7 =	simm.s32 @p2 $0x1082  }
0x22: {  	[simem:s7], [sflag:s8] =	dma.local @!p0 [hbm:s6], $0xF7A  }
0x23: {  	s9 =	sor.u32 $0xD0000000, s2;
	s6 =	simm.s32 $0x108;
	_ =	swait.ge @!p0 [sflag:s8], $0x0  }
0x24: {  	s3 =	sadd.s32 $0x88, s3;
	s6 =	simm.s32 @!p1 $0x1082;
	[sflag:s4] =	ssyncset.s32 $0xFFFFF086  }
0x25: {  	[simem:s6], [sflag:s4] =	dma.local [hbm:s3], $0xF7A  }
0x26: {  	[smem:$0x3F98] =	sst s1;
	(tag) =	ssettag s2;
	_ =	strace s9  }
0x27: {  	s1 =	sld [smem:$0x3FA8]  }
0x28: {  	s2 =	sld [smem:$0x3FA9]  }
0x29: {  	s4 =	sld [smem:$0x3FAB]  }
0x2a: {  	p0 =	seq.s32 s5, $0x0;
	s5 =	sld [smem:$0x3FAC]  }
0x2b: {  	s6 =	sld [smem:$0x3FAD]  }
0x2c: {  	s7 =	sld [smem:$0x3FAE]  }
0x2d: {  	s3 =	simm.s32 $0x108;
	s8 =	sld [smem:$0x3FAF]  }
0x2e: {  	s3 =	simm.s32 @!p0 $0x1082;
	s9 =	sld [smem:$0x3FB0]  }
0x2f: {  	lr =	sadd.s32 s0, s3;
	s0 =	sld [smem:$0x3FA7]  }
0x30: {  	s3 =	sld [smem:$0x3FAA]  }
0x31: {  	[smem:$0x3FB3] =	sst s10  }
0x32: {  	s10 =	sld [smem:$0x3FB1];
	_ =	sdelay $0x3  }
0x33: {  	p0 =	seq.s32 s10, $0x1;
	s10 =	sld [smem:$0x3FB3];
	_ =	sdelay $0x3  }
0x34: {  	[smem:$0x3FB3] =	sst s10  }
0x35: {  	s10 =	sld [smem:$0x3FB2];
	_ =	sdelay $0x3  }
0x36: {  	p1 =	seq.s32 s10, $0x1;
	s10 =	sld [smem:$0x3FB3];
	_ =	sdelay $0x3  }
0x37: {  	[smem:$0x3FB3] =	sst s10  }
0x38: {  	s10 =	sld [smem:$0x3FB4]  }
0x39: {  	_ = 	snop;
	(pc) =	sbr.ind lr, $3  }
0x3a: {  	_ = 	snop  }
0x3b: {  	_ = 	snop  }
0x3c: {  	p2 =	seq.s32 s10, $0x1;
	s10 =	sld [smem:$0x3FB3]  }
0x3d: {  	_ =	shalt  }
0x3e: {  	_ =	shalt  }
0x3f: {  	_ =	shalt  }
0x40: {  	_ =	shalt  }
0x41: {  	_ =	shalt  }
0x42: {  	_ =	shalt  }
0x43: {  	_ =	shalt  }
0x44: {  	_ =	shalt  }
0x45: {  	_ =	shalt  }
0x46: {  	_ =	shalt  }
0x47: {  	_ =	shalt  }
0x48: {  	_ =	shalt  }
0x49: {  	_ =	shalt  }
0x4a: {  	_ =	shalt  }
0x4b: {  	_ =	shalt  }
0x4c: {  	_ =	shalt  }
0x4d: {  	_ =	shalt  }
0x4e: {  	_ =	shalt  }
0x4f: {  	_ =	shalt  }
0x50: {  	_ =	shalt  }
0x51: {  	_ =	shalt  }
0x52: {  	_ =	shalt  }
0x53: {  	_ =	shalt  }
0x54: {  	_ =	shalt  }
0x55: {  	_ =	shalt  }
0x56: {  	_ =	shalt  }
0x57: {  	_ =	shalt  }
0x58: {  	_ =	shalt  }
0x59: {  	_ =	shalt  }
0x5a: {  	_ =	shalt  }
0x5b: {  	_ =	shalt  }
0x5c: {  	_ =	shalt  }
0x5d: {  	_ =	shalt  }
0x5e: {  	_ =	shalt  }
0x5f: {  	_ =	shalt  }
0x60: {  	_ =	shalt  }
0x61: {  	_ =	shalt  }
0x62: {  	_ =	shalt  }
0x63: {  	_ =	shalt  }
0x64: {  	_ =	shalt  }
0x65: {  	_ =	shalt  }
0x66: {  	_ =	shalt  }
0x67: {  	_ =	shalt  }
0x68: {  	_ =	shalt  }
0x69: {  	_ =	shalt  }
0x6a: {  	_ =	shalt  }
0x6b: {  	_ =	shalt  }
0x6c: {  	_ =	shalt  }
0x6d: {  	_ =	shalt  }
0x6e: {  	_ =	shalt  }
0x6f: {  	_ =	shalt  }
0x70: {  	_ =	shalt  }
0x71: {  	_ =	shalt  }
0x72: {  	_ =	shalt  }
0x73: {  	_ =	shalt  }
0x74: {  	_ =	shalt  }
0x75: {  	_ =	shalt  }
0x76: {  	_ =	shalt  }
0x77: {  	_ =	shalt  }
0x78: {  	_ =	shalt  }
0x79: {  	_ =	shalt  }
0x7a: {  	_ =	shalt  }
0x7b: {  	_ =	shalt  }
0x7c: {  	_ =	shalt  }
0x7d: {  	_ =	shalt  }
0x7e: {  	_ =	shalt  }
0x7f: {  	_ =	shalt  }
0x80: {  	_ =	shalt  }
0x81: {  	_ =	shalt  }
0x82: {  	_ =	shalt  }
0x83: {  	_ =	shalt  }
0x84: {  	_ =	shalt  }
0x85: {  	_ =	shalt  }
0x86: {  	_ =	shalt  }
0x87: {  	_ =	shalt  }
.Lfunc_end0:
.L_simem_size_0:
called_computation.1_lowered:
.L_overlay_start_0:
0x88: {  	s2 =	sld [smem:$0x3FD9]  }
0x89: {  	s3 =	sld [smem:$0x3FFE];
	_ =	sdelay $0x1  }
0x8a: {  	s1 =	srdreg.scid  }
0x8b: {  	s0 =	sand.u32 $0x1, s1  }
0x8c: {  	s16 =	sshll.u32 s0, $0xA;
	s2 =	sadd.s32 s3, s2  }
0x8d: {  	s2 =	sadd.s32 s2, s16  }
0x8e: {  	[smem:$0x3FBF] =	sst s2  }
0x8f: {  	_ = 	snop  }
0x90: {  	(tm) =	ssettm $0x1  }
0x91: {  	s17 =	sld [smem:$0x3FFB];
	_ =	sdelay $0x3  }
0x92: {  	_ =	strace s17  }
0x93: {  	s2 =	sld [smem:$0x3FFC];
	_ =	sdelay $0x3  }
0x94: {  	_ =	strace s2  }
0x95: {  	s2 =	sld [smem:$0x3FFD];
	_ =	sdelay $0x3  }
0x96: {  	_ =	strace s2  }
0x97: {  	_ =	strace $0x8FFFFFFF  }
0x98: {  	s18 =	sld [smem:$0x3FDB];
	_ =	sdelay $0x1  }
0x99: {  	s19 =	simm.s32 $_scs_section_size  }
0x9a: {  	s4 =	simm.s32 $_size__tile_overlayer_lowered;
	s5 =	simm.s32 $_tile_overlayer_lowered  }
0x9b: {  	s22 =	simm.s32 $0x1BFF;
	s21 =	sshll.u32 s5, $0x1;
	s2 =	sadd.s32 s19, s18  }
0x9c: {  	s6 =	simm.s32 $0x0;
	s20 =	sshll.u32 s4, $0x1;
	s4 =	sadd.s32 s21, s2  }
0x9d: {  	[timem:s6], [sflag:s22] =	dma.local [hbm:s4], s20  }
0x9e: {  	_ =	swait.ge [sflag:s22], s20  }
0x9f: {  	s3 =	ssub.s32 $0x0, s20;
	[sflag:s22] =	ssyncset.done $0x0  }
0xa0: {  	[sflag:s22] =	ssyncadd.s32 s3;
	_ =	sdelay $0x1  }
0xa1: {  	s23 =	simm.s32 $0x1B8B  }
0xa2: {  	_ =	swait.ge [sflag:s23], $0x1  }
0xa3: {  	[sflag:s23] =	ssyncset.done $0x0  }
0xa4: {  	s25 =	simm.s32 $0x1B8E;
	s24 =	sld [smem:$0x3FFE];
	[sflag:s23] =	ssyncadd.s32 $0xFFFFFFFF  }
0xa5: {  	s26 =	simm.s32 $execute0_lowered;
	[smem:$0x3FD2] =	sst s25  }
0xa6: {  	s4 =	sshll.u32 s26, $0x1;
	_ =	strace $0x80000049;
	[dreg:$0x1] =	wrdreg $0xFFFFFFFF  }
0xa7: {  	s28 =	simm.s32 $_size_execute0_lowered;
	s2 =	sadd.s32 s2, s4;
	[dreg:$0x0] =	wrdreg $0x0  }
0xa8: {  	s4 =	sshll.u32 s28, $0x1;
	[dreg:$0x2] =	wrdreg s2  }
0xa9: {  	[dreg:$0x3] =	wrdreg s4  }
0xaa: {  	[dreg:$0x4] =	wrdreg $0xC0  }
0xab: {  	_ =	task [dreg:s6], $0x5FFFF  }
0xac: {  	[dreg:$0x1] =	wrdreg $0xFFFFFFFF  }
0xad: {  	[dreg:$0x0] =	wrdreg $0x60  }
0xae: {  	[dreg:$0x2] =	wrdreg s24  }
0xaf: {  	[dreg:$0x3] =	wrdreg $0x9  }
0xb0: {  	_ =	task.clear_ibuf [dreg:s6], $0x4FFFF;
	_ =	strace $0x90000049  }
0xb1: {  	s29 =	simm.s32 $0x9;
	_ =	strace $0x8000004B  }
0xb2: {  	_ =	swait.ge [sflag:s29], $0x1  }
0xb3: {  	[sflag:s29] =	ssyncadd.s32 $0xFFFFFFFF  }
0xb4: {  	_ =	strace $0x9000004B  }
0xb5: {  	_ =	sfence  }
0xb6: {  	s30 =	sld [smem:$0x0];
	_ =	sdelay $0x2  }
0xb7: {  	s31 =	sshll.u32 s1, $0xD;
	s1 =	sshrl.u32 s1, $0x2  }
0xb8: {  	s3 =	sand.u32 $0x4000, s31;
	s1 =	sadd.s32 s1, s30  }
0xb9: {  	s0 =	sor.u32 s3, s0;
	s1 =	sshll.u32 s1, $0x11  }
0xba: {  	s0 =	sor.u32 s1, s0  }
0xbb: {  	s0 =	sadd.s32 $0x8F2B, s0  }
0xbc: {  	[sflag:s0] =	ssyncadd.remote.s32 $0x1  }
0xbd: {  	_ =	sfence.sel $0xFFFF  }
0xbe: {  	[dreg:$0x0] =	wrdreg $0xFFFFFFFF;
	(pc) =	sbr.abs _section_cstart, $3  }
0xbf: {  	[dreg:$0x1] =	wrdreg $0xFFFFFFFF  }
0xc0: {  	_ =	task.clear_ibuf [dreg:s6], $0x2FFFF;
	_ =	strace $0x9FFFFFFF  }
0xc1: {  	(tm) =	ssettm $0x7FFFFFFF  }
tec
execute0_lowered:
.L_overlay_start_1:
0x0: {  	(tag) =	ssettag $0x1  }
0x1: {  	s1 =	srdreg.scid  }
0x2: {  	s0 =	stileid.u32;
	s6 =	rddreg [dreg:$0x0];
	s2 =	simm.s32 $0x0  }
0x3: {  	s10 =	simm.s32 $0x10F80;
	s11 =	simm.s32 $0x12F00;
	s12 =	simm.s32 $0x3  }
0x4: {  	s13 =	simm.s32 $0x14E80;
	s14 =	simm.s32 $0x16E00;
	s15 =	simm.s32 $0x18D80  }
0x5: {  	s16 =	simm.s32 $0x1;
	s17 =	simm.s32 $0x5000;
	s18 =	simm.s32 $0x2  }
0x6: {  	s5 =	sand.u32 $0x1, s1;
	s30 =	sshll.u32 s0, $0x1;
	s1 =	rddreg [dreg:$0x1]  }
0x7: {  	s19 =	simm.s32 $0x0;
	[smem:$0x7FF] =	sst s2;
	s3 =	sor.u32 s5, s30  }
0x8: {  	_ =	strace $0x8000004A;
	s9 =	ssub.s32 $0x2, s5;
	s4 =	smul.u32 $0xA00, s3  }
0x9: {  	s5 =	sadd.s32 $0x4FE00, s6;
	s8 =	smul.u32 $0x1400, s3;
	s31 =	sshrl.u32 s9, $0x1  }
0xa: {  	s3 =	sadd.s32 $0x32000, s6;
	s9 =	ssub.s32 s9, s31;
	s7 =	sadd.s32 s4, s6  }
0xb: {  	s4 =	sadd.s32 $0x28200, s6;
	s8 =	sadd.s32 s8, s6;
	s6 =	sadd.s32 $0x3BE00, s7  }
0xc: {  	v0 =	vimm.f32 $0.0e+00;
	s7 =	sadd.s32 $0x59C00, s8;
	s8 =	smax.u32 s9, $0x1;
	s9 =	simm.s32 $0xF000  }
.LBB2_1:
0xd: {  	[tilespmem:s9], [sflag:$0x1] =	stream.linear.gather [hbm4b:s3+s2], $0x1F40, $0x38;
	[tilespmem:$0x1AD00] =	vst v63  }
0xe: {  	_ = 	snop  }
0xf: {  	[tilespmem:s10], [sflag:$0x1] =	stream.linear.gather [hbm4b:s4+s2], $0x1F40, $0x38;
	[tilespmem:$0x1AD00] =	vst v63  }
0x10: {  	_ = 	snop  }
0x11: {  	[tilespmem:s11], [sflag:$0x1] =	stream.linear.gather [hbm4b:s5+s2], $0x1F40, $0x38;
	[tilespmem:$0x1AD00] =	vst v63  }
0x12: {  	_ = 	snop  }
0x13: {  	[tilespmem:s2], [sflag:$0x3] =	stream.linear.gather [hbm4b:s6+s2], $0x5000, $0x38;
	[tilespmem:$0x1AD00] =	vst v63  }
0x14: {  	_ =	swait.ge [sflag:s12], $0x5000  }
0x15: {  	[sflag:s12] =	ssyncset.done $0x0  }
0x16: {  	s20 =	simm.s32 $0x0;
	[sflag:s12] =	ssyncadd.s32 $0xFFFFB000  }
.LBB2_2:
0x17: {  	p0 =	sne.s32 s20, $0x27FC0  }
.Ltmp0:
0x18: {  	_ = 	snop;
	(pc) =	sbr.rel @p0 .LBB2_2-.Ltmp0, $3  }
0x19: {  	_ =	sdelay $0x1  }
0x1a: {  	s21 =	sshra.s32 s20, $0x2  }
0x1b: {  	s20 =	sadd.s32 $0x40, s20;
	[tilespmem:s21+$0x5000] =	vst v0  }
0x1c: {  	s20 =	simm.s32 $0x0;
	s21 =	simm.s32 $0x0  }
.LBB2_4:
0x1d: {  	s22 =	smul.u32 $0x3E80, s21;
	_ =	sdelay $0x1  }
0x1e: {  	s23 =	sshrl.u32 s22, $0x3  }
0x1f: {  	s23 =	sadd.s32 $0x3E8, s23  }
0x20: {  	s24 =	sadd.s32 s3, s23  }
0x21: {  	[tilespmem:s13], [sflag:$0x2] =	stream.linear.gather [hbm4b:s24+s2], $0x1F40, $0x38;
	[tilespmem:$0x1AD00] =	vst v63  }
0x22: {  	s31 =	sadd.s32 s4, s23  }
0x23: {  	[tilespmem:s14], [sflag:$0x2] =	stream.linear.gather [hbm4b:s31+s2], $0x1F40, $0x38;
	[tilespmem:$0x1AD00] =	vst v63  }
0x24: {  	s23 =	sadd.s32 s5, s23  }
0x25: {  	[tilespmem:s15], [sflag:$0x2] =	stream.linear.gather [hbm4b:s23+s2], $0x1F40, $0x38;
	[tilespmem:$0x1AD00] =	vst v63  }
0x26: {  	_ =	swait.ge [sflag:s16], $0x1F40  }
0x27: {  	[sflag:s16] =	ssyncset.done $0x0  }
0x28: {  	[sflag:s16] =	ssyncadd.s32 $0xFFFFE0C0  }
0x29: {  	_ =	swait.ge [sflag:s16], $0x1F40  }
0x2a: {  	[sflag:s16] =	ssyncset.done $0x0  }
0x2b: {  	[sflag:s16] =	ssyncadd.s32 $0xFFFFE0C0  }
0x2c: {  	_ =	swait.ge [sflag:s16], $0x1F40  }
0x2d: {  	[sflag:s16] =	ssyncset.done $0x0  }
0x2e: {  	s25 =	simm.s32 $0xF040;
	[sflag:s16] =	ssyncadd.s32 $0xFFFFE0C0  }
0x2f: {  	v1 =	vld [tilespmem:s25+$0x30]  }
0x30: {  	v2 =	vld [tilespmem:s25+$0xFFFFFFD0]  }
0x31: {  	v3 =	vld [tilespmem:s25+$0xFFFFFFE0]  }
0x32: {  	v4 =	vld [tilespmem:s25+$0xFFFFFFF0]  }
0x33: {  	v5 =	vld [tilespmem:s25+$0x0]  }
0x34: {  	v6 =	vld [tilespmem:s25+$0x10]  }
0x35: {  	s23 =	simm.s32 $0x10FC0;
	v7 =	vld [tilespmem:s25+$0x20]  }
0x36: {  	v8 =	vld [tilespmem:s23+$0x30]  }
0x37: {  	s24 =	simm.s32 $0x12F40;
	v10 =	vld [tilespmem:s25+$0xFFFFFFC0]  }
0x38: {  	v11 =	vld [tilespmem:s24+$0x30]  }
0x39: {  	v39 =	vld [tilespmem:s24+$0xFFFFFFC0]  }
0x3a: {  	v40 =	vld [tilespmem:s24+$0xFFFFFFD0]  }
0x3b: {  	v20 =	vld [tilespmem:s24+$0xFFFFFFE0]  }
0x3c: {  	v22 =	vld [tilespmem:s24+$0xFFFFFFF0]  }
0x3d: {  	v23 =	vld [tilespmem:s24+$0x0]  }
0x3e: {  	v25 =	vld [tilespmem:s24+$0x10]  }
0x3f: {  	v9 =	vld.idx.msk [tilespmem:v1+s20+$0x0], $0xffff  }
0x40: {  	v26 =	vld [tilespmem:s24+$0x20]  }
0x41: {  	v41 =	vld [tilespmem:s23+$0xFFFFFFD0]  }
0x42: {  	v27 =	vld [tilespmem:s23+$0x0]  }
0x43: {  	v30 =	vld [tilespmem:s23+$0x10];
	v15 =	vadd.s32 $0x2800, v8  }
0x44: {  	v32 =	vld [tilespmem:s23+$0x20];
	v1 =	vadd.s32 $0x2800, v1;
	v17 =	vshll.u32 v9, $0x10  }
0x45: {  	v12 =	vld.idx.msk [tilespmem:v2+s20+$0x0], $0xffff;
	v9 =	vand.u32 $0xFFFF0000, v9;
	v17 =	vmul.f32 v17, v11  }
0x46: {  	v13 =	vld.idx.msk [tilespmem:v3+s20+$0x0], $0xffff;
	v9 =	vmul.f32 v9, v11  }
0x47: {  	[tilespmem:v8+s17+$0x0] =	vst.idx.add.f32.msk $0xffff, v17  }
0x48: {  	[tilespmem:v15+s17+$0x0] =	vst.idx.add.f32.msk $0xffff, v9  }
0x49: {  	v1 =	vld.idx.msk [tilespmem:v1+s20+$0x0], $0xffff  }
0x4a: {  	v14 =	vld.idx.msk [tilespmem:v4+s20+$0x0], $0xffff  }
0x4b: {  	v16 =	vld.idx.msk [tilespmem:v5+s20+$0x0], $0xffff;
	v29 =	vshll.u32 v12, $0x10  }
0x4c: {  	v21 =	vadd.s32 $0x5000, v8;
	v18 =	vld.idx.msk [tilespmem:v6+s20+$0x0], $0xffff;
	v29 =	vmul.f32 v29, v40  }
0x4d: {  	v19 =	vld.idx.msk [tilespmem:v7+s20+$0x0], $0xffff;
	v8 =	vadd.s32 $0x7800, v8  }
0x4e: {  	[tilespmem:v41+s17+$0x0] =	vst.idx.add.f32.msk $0xffff, v29;
	v24 =	vshll.u32 v1, $0x10  }
0x4f: {  	v9 =	vld.idx.msk [tilespmem:v10+s20+$0x0], $0xffff;
	v1 =	vand.u32 $0xFFFF0000, v1;
	v24 =	vmul.f32 v24, v11  }
0x50: {  	v1 =	vmul.f32 v1, v11;
	v11 =	vld [tilespmem:s23+$0xFFFFFFC0]  }
0x51: {  	v47 =	vshll.u32 v16, $0x10;
	[tilespmem:v21+s17+$0x0] =	vst.idx.add.f32.msk $0xffff, v24  }
0x52: {  	v31 =	vadd.s32 $0x2800, v41;
	v49 =	vmul.f32 v47, v23;
	[tilespmem:v8+s17+$0x0] =	vst.idx.add.f32.msk $0xffff, v1  }
0x53: {  	v2 =	vadd.s32 $0x2800, v2;
	v52 =	vshll.u32 v19, $0x10;
	v1 =	vld [tilespmem:s23+$0xFFFFFFE0]  }
0x54: {  	v12 =	vand.u32 $0xFFFF0000, v12;
	v54 =	vmul.f32 v52, v26;
	[tilespmem:v27+s17+$0x0] =	vst.idx.add.f32.msk $0xffff, v49  }
0x55: {  	v12 =	vmul.f32 v12, v40;
	v8 =	vld [tilespmem:s23+$0xFFFFFFF0];
	v28 =	vadd.s32 $0x2800, v11  }
0x56: {  	[tilespmem:v32+s17+$0x0] =	vst.idx.add.f32.msk $0xffff, v54;
	v42 =	vshll.u32 v9, $0x10  }
0x57: {  	[tilespmem:v31+s17+$0x0] =	vst.idx.add.f32.msk $0xffff, v12;
	v10 =	vadd.s32 $0x2800, v10;
	v9 =	vand.u32 $0xFFFF0000, v9;
	v24 =	vmul.f32 v42, v39  }
0x58: {  	v43 =	vshll.u32 v13, $0x10;
	v2 =	vld.idx.msk [tilespmem:v2+s20+$0x0], $0xffff;
	v9 =	vmul.f32 v9, v39;
	v33 =	vadd.s32 $0x2800, v1  }
0x59: {  	[tilespmem:v11+s17+$0x0] =	vst.idx.add.f32.msk $0xffff, v24;
	v24 =	vmul.f32 v43, v20  }
0x5a: {  	v13 =	vand.u32 $0xFFFF0000, v13;
	v44 =	vadd.s32 $0x2800, v8;
	[tilespmem:v28+s17+$0x0] =	vst.idx.add.f32.msk $0xffff, v9  }
0x5b: {  	v3 =	vadd.s32 $0x2800, v3;
	v13 =	vmul.f32 v13, v20;
	v9 =	vshll.u32 v14, $0x10;
	[tilespmem:v1+s17+$0x0] =	vst.idx.add.f32.msk $0xffff, v24  }
0x5c: {  	v45 =	vand.u32 $0xFFFF0000, v14;
	v9 =	vmul.f32 v9, v22;
	v10 =	vld.idx.msk [tilespmem:v10+s20+$0x0], $0xffff  }
0x5d: {  	v46 =	vadd.s32 $0x2800, v27;
	v12 =	vmul.f32 v45, v22;
	[tilespmem:v33+s17+$0x0] =	vst.idx.add.f32.msk $0xffff, v13  }
0x5e: {  	v4 =	vadd.s32 $0x2800, v4;
	[tilespmem:v8+s17+$0x0] =	vst.idx.add.f32.msk $0xffff, v9;
	v9 =	vshll.u32 v18, $0x10  }
0x5f: {  	v53 =	vadd.s32 $0x2800, v32;
	v48 =	vand.u32 $0xFFFF0000, v16;
	[tilespmem:v44+s17+$0x0] =	vst.idx.add.f32.msk $0xffff, v12;
	v9 =	vmul.f32 v9, v25  }
0x60: {  	v5 =	vadd.s32 $0x2800, v5;
	v13 =	vmul.f32 v48, v23;
	v3 =	vld.idx.msk [tilespmem:v3+s20+$0x0], $0xffff  }
0x61: {  	v50 =	vadd.s32 $0x2800, v30;
	[tilespmem:v30+s17+$0x0] =	vst.idx.add.f32.msk $0xffff, v9;
	v9 =	vand.u32 $0xFFFF0000, v19  }
0x62: {  	v6 =	vadd.s32 $0x2800, v6;
	[tilespmem:v46+s17+$0x0] =	vst.idx.add.f32.msk $0xffff, v13;
	v9 =	vmul.f32 v9, v26  }
0x63: {  	v7 =	vadd.s32 $0x2800, v7;
	v51 =	vand.u32 $0xFFFF0000, v18;
	v4 =	vld.idx.msk [tilespmem:v4+s20+$0x0], $0xffff  }
0x64: {  	v12 =	vmul.f32 v51, v25;
	[tilespmem:v53+s17+$0x0] =	vst.idx.add.f32.msk $0xffff, v9;
	v9 =	vadd.s32 $0x5000, v11  }
0x65: {  	v5 =	vld.idx.msk [tilespmem:v5+s20+$0x0], $0xffff;
	v11 =	vadd.s32 $0x7800, v11  }
0x66: {  	v55 =	vadd.s32 $0x5000, v41;
	v56 =	vshll.u32 v10, $0x10;
	[tilespmem:v50+s17+$0x0] =	vst.idx.add.f32.msk $0xffff, v12  }
0x67: {  	v57 =	vadd.s32 $0x7800, v41;
	v10 =	vand.u32 $0xFFFF0000, v10;
	v13 =	vmul.f32 v56, v39;
	v6 =	vld.idx.msk [tilespmem:v6+s20+$0x0], $0xffff  }
0x68: {  	v59 =	vshll.u32 v2, $0x10;
	v58 =	vadd.s32 $0x5000, v1;
	v10 =	vmul.f32 v10, v39;
	v7 =	vld.idx.msk [tilespmem:v7+s20+$0x0], $0xffff  }
0x69: {  	v2 =	vand.u32 $0xFFFF0000, v2;
	v1 =	vadd.s32 $0x7800, v1;
	[tilespmem:v9+s17+$0x0] =	vst.idx.add.f32.msk $0xffff, v13;
	v9 =	vmul.f32 v59, v40  }
0x6a: {  	v2 =	vmul.f32 v2, v40;
	v60 =	vadd.s32 $0x5000, v8;
	v61 =	vshll.u32 v3, $0x10;
	[tilespmem:v11+s17+$0x0] =	vst.idx.add.f32.msk $0xffff, v10  }
0x6b: {  	v8 =	vadd.s32 $0x7800, v8;
	v3 =	vand.u32 $0xFFFF0000, v3;
	[tilespmem:v55+s17+$0x0] =	vst.idx.add.f32.msk $0xffff, v9;
	v9 =	vmul.f32 v61, v20  }
0x6c: {  	v10 =	vadd.s32 $0x5000, v27;
	v11 =	vshll.u32 v4, $0x10;
	[tilespmem:v57+s17+$0x0] =	vst.idx.add.f32.msk $0xffff, v2;
	v2 =	vmul.f32 v3, v20  }
0x6d: {  	v62 =	vadd.s32 $0x7800, v27;
	v3 =	vand.u32 $0xFFFF0000, v4;
	v4 =	vmul.f32 v11, v22;
	[tilespmem:v58+s17+$0x0] =	vst.idx.add.f32.msk $0xffff, v9  }
0x6e: {  	v11 =	vadd.s32 $0x5000, v30;
	v9 =	vshll.u32 v5, $0x10;
	v63 =	vmul.f32 v3, v22;
	[tilespmem:v1+s17+$0x0] =	vst.idx.add.f32.msk $0xffff, v2  }
0x6f: {  	v1 =	vand.u32 $0xFFFF0000, v5;
	v2 =	vmul.f32 v9, v23;
	[tilespmem:v60+s17+$0x0] =	vst.idx.add.f32.msk $0xffff, v4  }
0x70: {  	v3 =	vadd.s32 $0x7800, v30;
	v4 =	vshll.u32 v6, $0x10;
	v5 =	vmul.f32 v1, v23;
	[tilespmem:v8+s17+$0x0] =	vst.idx.add.f32.msk $0xffff, v63  }
0x71: {  	v6 =	vand.u32 $0xFFFF0000, v6;
	v1 =	vadd.s32 $0x5000, v32;
	v8 =	vmul.f32 v4, v25;
	[tilespmem:v10+s17+$0x0] =	vst.idx.add.f32.msk $0xffff, v2  }
0x72: {  	v4 =	vshll.u32 v7, $0x10;
	v7 =	vand.u32 $0xFFFF0000, v7;
	v9 =	vmul.f32 v6, v25;
	[tilespmem:v62+s17+$0x0] =	vst.idx.add.f32.msk $0xffff, v5  }
0x73: {  	s26 =	simm.s32 $0x0;
	s28 =	simm.s32 $0xF0C0;
	v2 =	vadd.s32 $0x7800, v32;
	v5 =	vmul.f32 v4, v26;
	v4 =	vmul.f32 v7, v26;
	[tilespmem:v11+s17+$0x0] =	vst.idx.add.f32.msk $0xffff, v8  }
.LBB2_5:
0x74: {  	v13 =	vld [tilespmem:s28+$0x30]  }
0x75: {  	v12 =	vld [tilespmem:s28+$0xFFFFFFD0]  }
0x76: {  	s26 =	sadd.s32 $0x8, s26;
	v14 =	vld [tilespmem:s28+$0xFFFFFFE0]  }
0x77: {  	p0 =	slt.u32 s26, $0x1E8;
	v15 =	vld [tilespmem:s28+$0xFFFFFFF0]  }
0x78: {  	v16 =	vld [tilespmem:s28+$0x0]  }
0x79: {  	v17 =	vld [tilespmem:s28+$0x10]  }
0x7a: {  	s23 =	sadd.s32 $0x80, s23;
	v6 =	vadd.s32 $0x2800, v12;
	v18 =	vld [tilespmem:s28+$0x20]  }
0x7b: {  	s25 =	simm.s32 $0x0;
	v7 =	vadd.s32 $0x2800, v14;
	v21 =	vld [tilespmem:s23+$0x30]  }
0x7c: {  	v8 =	vadd.s32 $0x2800, v15;
	v20 =	vld.idx.msk [tilespmem:v13+s25+$0x0], $0xffff  }
0x7d: {  	s24 =	sadd.s32 $0x80, s24;
	v22 =	vld [tilespmem:s28+$0xFFFFFFC0];
	v10 =	vadd.s32 $0x2800, v16  }
0x7e: {  	v11 =	vadd.s32 $0x2800, v17;
	v23 =	vld [tilespmem:s24+$0x30]  }
0x7f: {  	v24 =	vld.idx.msk [tilespmem:v12+s25+$0x0], $0xffff;
	v12 =	vadd.s32 $0x2800, v18  }
0x80: {  	v14 =	vld.idx.msk [tilespmem:v14+s25+$0x0], $0xffff  }
0x81: {  	v25 =	vadd.s32 $0x2800, v21;
	v15 =	vld.idx.msk [tilespmem:v15+s25+$0x0], $0xffff  }
0x82: {  	v13 =	vadd.s32 $0x2800, v13;
	v26 =	vshll.u32 v20, $0x10;
	v19 =	vadd.s32 $0x2800, v22;
	v16 =	vld.idx.msk [tilespmem:v16+s25+$0x0], $0xffff  }
0x83: {  	v20 =	vand.u32 $0xFFFF0000, v20;
	v17 =	vld.idx.msk [tilespmem:v17+s25+$0x0], $0xffff;
	v26 =	vmul.f32 v26, v23  }
0x84: {  	v27 =	vld.idx.msk [tilespmem:v18+s25+$0x0], $0xffff;
	v18 =	vmul.f32 v20, v23  }
0x85: {  	v28 =	vshll.u32 v24, $0x10;
	v24 =	vand.u32 $0xFFFF0000, v24;
	[tilespmem:v21+s17+$0x0] =	vst.idx.add.f32.msk $0xffff, v26  }
0x86: {  	v26 =	vshll.u32 v14, $0x10;
	v29 =	vand.u32 $0xFFFF0000, v14;
	[tilespmem:v25+s17+$0x0] =	vst.idx.add.f32.msk $0xffff, v18  }
0x87: {  	v25 =	vshll.u32 v15, $0x10;
	v30 =	vand.u32 $0xFFFF0000, v15;
	v31 =	vld.idx.msk [tilespmem:v13+s25+$0x0], $0xffff  }
0x88: {  	v32 =	vshll.u32 v16, $0x10;
	v33 =	vand.u32 $0xFFFF0000, v16;
	v22 =	vld.idx.msk [tilespmem:v22+s25+$0x0], $0xffff  }
0x89: {  	v34 =	vshll.u32 v17, $0x10;
	v35 =	vand.u32 $0xFFFF0000, v17;
	v20 =	vld [tilespmem:s24+$0xFFFFFFC0]  }
0x8a: {  	v36 =	vshll.u32 v27, $0x10;
	v27 =	vand.u32 $0xFFFF0000, v27;
	v18 =	vld [tilespmem:s24+$0xFFFFFFD0]  }
0x8b: {  	v37 =	vadd.s32 $0x5000, v21;
	v17 =	vld [tilespmem:s24+$0xFFFFFFE0]  }
0x8c: {  	v21 =	vadd.s32 $0x7800, v21;
	v15 =	vld [tilespmem:s24+$0xFFFFFFF0]  }
0x8d: {  	v16 =	vshll.u32 v31, $0x10;
	v13 =	vld [tilespmem:s24+$0x0]  }
0x8e: {  	v31 =	vand.u32 $0xFFFF0000, v31;
	v38 =	vshll.u32 v22, $0x10;
	v39 =	vmul.f32 v16, v23;
	v14 =	vld [tilespmem:s24+$0x10]  }
0x8f: {  	v22 =	vand.u32 $0xFFFF0000, v22;
	v23 =	vmul.f32 v31, v23;
	v38 =	vmul.f32 v38, v20;
	v16 =	vld [tilespmem:s24+$0x20]  }
0x90: {  	v22 =	vmul.f32 v22, v20;
	v28 =	vmul.f32 v28, v18;
	[tilespmem:v37+s17+$0x0] =	vst.idx.add.f32.msk $0xffff, v39  }
0x91: {  	v24 =	vmul.f32 v24, v18;
	v26 =	vmul.f32 v26, v17;
	[tilespmem:v21+s17+$0x0] =	vst.idx.add.f32.msk $0xffff, v23  }
0x92: {  	v23 =	vmul.f32 v29, v17;
	v25 =	vmul.f32 v25, v15;
	v21 =	vld [tilespmem:s23+$0xFFFFFFC0]  }
0x93: {  	v30 =	vmul.f32 v30, v15;
	v31 =	vmul.f32 v32, v13;
	v29 =	vld [tilespmem:s23+$0xFFFFFFD0]  }
0x94: {  	v33 =	vmul.f32 v33, v13;
	v34 =	vmul.f32 v34, v14;
	v32 =	vld [tilespmem:s23+$0xFFFFFFE0]  }
0x95: {  	v35 =	vmul.f32 v35, v14;
	v36 =	vmul.f32 v36, v16;
	v37 =	vld [tilespmem:s23+$0xFFFFFFF0]  }
0x96: {  	v27 =	vmul.f32 v27, v16;
	v39 =	vld [tilespmem:s23+$0x0]  }
0x97: {  	v40 =	vadd.s32 $0x2800, v21;
	v41 =	vadd.s32 $0x5000, v21;
	v42 =	vadd.s32 $0x7800, v21;
	v43 =	vld [tilespmem:s23+$0x10]  }
0x98: {  	v44 =	vadd.s32 $0x2800, v29;
	v45 =	vadd.s32 $0x5000, v29;
	v46 =	vadd.s32 $0x7800, v29;
	v47 =	vld [tilespmem:s23+$0x20]  }
0x99: {  	v48 =	vadd.s32 $0x2800, v32;
	v49 =	vadd.s32 $0x5000, v32;
	v50 =	vadd.s32 $0x7800, v32;
	[tilespmem:v3+s17+$0x0] =	vst.idx.add.f32.msk $0xffff, v9  }
0x9a: {  	[tilespmem:v21+s17+$0x0] =	vst.idx.add.f32.msk $0xffff, v38;
	v9 =	vadd.s32 $0x2800, v37;
	v21 =	vadd.s32 $0x5000, v37;
	v38 =	vadd.s32 $0x7800, v37  }
0x9b: {  	[tilespmem:v29+s17+$0x0] =	vst.idx.add.f32.msk $0xffff, v28;
	v28 =	vadd.s32 $0x2800, v39;
	v29 =	vadd.s32 $0x5000, v39;
	v51 =	vadd.s32 $0x7800, v39  }
0x9c: {  	[tilespmem:v40+s17+$0x0] =	vst.idx.add.f32.msk $0xffff, v22;
	v22 =	vadd.s32 $0x2800, v43;
	v40 =	vadd.s32 $0x5000, v43;
	v3 =	vadd.s32 $0x7800, v43  }
0x9d: {  	[tilespmem:v44+s17+$0x0] =	vst.idx.add.f32.msk $0xffff, v24;
	v24 =	vadd.s32 $0x2800, v47;
	v44 =	vadd.s32 $0x5000, v47;
	v52 =	vadd.s32 $0x7800, v47  }
0x9e: {  	[tilespmem:v32+s17+$0x0] =	vst.idx.add.f32.msk $0xffff, v26  }
0x9f: {  	[tilespmem:v48+s17+$0x0] =	vst.idx.add.f32.msk $0xffff, v23  }
0xa0: {  	[tilespmem:v37+s17+$0x0] =	vst.idx.add.f32.msk $0xffff, v25  }
0xa1: {  	[tilespmem:v9+s17+$0x0] =	vst.idx.add.f32.msk $0xffff, v30  }
0xa2: {  	[tilespmem:v39+s17+$0x0] =	vst.idx.add.f32.msk $0xffff, v31  }
0xa3: {  	[tilespmem:v28+s17+$0x0] =	vst.idx.add.f32.msk $0xffff, v33  }
0xa4: {  	[tilespmem:v43+s17+$0x0] =	vst.idx.add.f32.msk $0xffff, v34  }
0xa5: {  	[tilespmem:v22+s17+$0x0] =	vst.idx.add.f32.msk $0xffff, v35  }
0xa6: {  	[tilespmem:v47+s17+$0x0] =	vst.idx.add.f32.msk $0xffff, v36  }
0xa7: {  	[tilespmem:v24+s17+$0x0] =	vst.idx.add.f32.msk $0xffff, v27  }
0xa8: {  	v9 =	vld.idx.msk [tilespmem:v19+s25+$0x0], $0xffff  }
0xa9: {  	v6 =	vld.idx.msk [tilespmem:v6+s25+$0x0], $0xffff  }
0xaa: {  	v7 =	vld.idx.msk [tilespmem:v7+s25+$0x0], $0xffff  }
0xab: {  	v8 =	vld.idx.msk [tilespmem:v8+s25+$0x0], $0xffff  }
0xac: {  	v10 =	vld.idx.msk [tilespmem:v10+s25+$0x0], $0xffff  }
0xad: {  	v11 =	vld.idx.msk [tilespmem:v11+s25+$0x0], $0xffff  }
0xae: {  	v19 =	vshll.u32 v9, $0x10;
	v9 =	vand.u32 $0xFFFF0000, v9;
	v12 =	vld.idx.msk [tilespmem:v12+s25+$0x0], $0xffff  }
0xaf: {  	v19 =	vmul.f32 v19, v20;
	v22 =	vshll.u32 v6, $0x10;
	v6 =	vand.u32 $0xFFFF0000, v6;
	[tilespmem:v1+s17+$0x0] =	vst.idx.add.f32.msk $0xffff, v5;
	v1 =	vmovc v44  }
0xb0: {  	v5 =	vmul.f32 v9, v20;
	v9 =	vshll.u32 v7, $0x10;
	v7 =	vand.u32 $0xFFFF0000, v7;
	[tilespmem:v2+s17+$0x0] =	vst.idx.add.f32.msk $0xffff, v4;
	v2 =	vmovc v52  }
0xb1: {  	v4 =	vmul.f32 v22, v18;
	[tilespmem:v41+s17+$0x0] =	vst.idx.add.f32.msk $0xffff, v19;
	v19 =	vshll.u32 v8, $0x10;
	v8 =	vand.u32 $0xFFFF0000, v8  }
0xb2: {  	[tilespmem:v42+s17+$0x0] =	vst.idx.add.f32.msk $0xffff, v5;
	v5 =	vmul.f32 v6, v18;
	v6 =	vshll.u32 v10, $0x10;
	v10 =	vand.u32 $0xFFFF0000, v10  }
0xb3: {  	[tilespmem:v45+s17+$0x0] =	vst.idx.add.f32.msk $0xffff, v4;
	v4 =	vmul.f32 v9, v17;
	v9 =	vshll.u32 v11, $0x10;
	v11 =	vand.u32 $0xFFFF0000, v11  }
0xb4: {  	[tilespmem:v46+s17+$0x0] =	vst.idx.add.f32.msk $0xffff, v5;
	v5 =	vmul.f32 v7, v17;
	v7 =	vshll.u32 v12, $0x10;
	v12 =	vand.u32 $0xFFFF0000, v12  }
0xb5: {  	v8 =	vmul.f32 v8, v15;
	[tilespmem:v49+s17+$0x0] =	vst.idx.add.f32.msk $0xffff, v4;
	v4 =	vmul.f32 v19, v15  }
0xb6: {  	v6 =	vmul.f32 v6, v13;
	v10 =	vmul.f32 v10, v13;
	[tilespmem:v50+s17+$0x0] =	vst.idx.add.f32.msk $0xffff, v5  }
.Ltmp1:
0xb7: {  	v13 =	vmul.f32 v9, v14;
	v9 =	vmul.f32 v11, v14;
	[tilespmem:v21+s17+$0x0] =	vst.idx.add.f32.msk $0xffff, v4;
	(pc) =	sbr.rel @p0 .LBB2_5-.Ltmp1, $4  }
0xb8: {  	v5 =	vmul.f32 v7, v16;
	v4 =	vmul.f32 v12, v16;
	[tilespmem:v38+s17+$0x0] =	vst.idx.add.f32.msk $0xffff, v8  }
0xb9: {  	[tilespmem:v29+s17+$0x0] =	vst.idx.add.f32.msk $0xffff, v6  }
0xba: {  	[tilespmem:v51+s17+$0x0] =	vst.idx.add.f32.msk $0xffff, v10  }
0xbb: {  	s28 =	sadd.s32 $0x80, s28;
	[tilespmem:v40+s17+$0x0] =	vst.idx.add.f32.msk $0xffff, v13  }
0xbc: {  	_ =	sdelay $0x3  }
0xbd: {  	[tilespmem:v3+s17+$0x0] =	vst.idx.add.f32.msk $0xffff, v9  }
0xbe: {  	[tilespmem:v1+s17+$0x0] =	vst.idx.add.f32.msk $0xffff, v5  }
0xbf: {  	[tilespmem:v2+s17+$0x0] =	vst.idx.add.f32.msk $0xffff, v4  }
.LBB2_7:
0xc0: {  	s23 =	sshra.s32 s25, $0x2  }
0xc1: {  	v1 =	vld [tilespmem:s23+$0x10F00];
	_ =	sdelay $0x6  }
0xc2: {  	v2 =	vld [tilespmem:s23+$0x12E80]  }
0xc3: {  	v3 =	vld.idx.msk [tilespmem:v1+s2+$0x0], $0xffff  }
0xc4: {  	v4 =	vld [tilespmem:s23+$0x14E00];
	_ =	sdelay $0x2  }
0xc5: {  	v5 =	vadd.s32 $0x2800, v2  }
0xc6: {  	v1 =	vadd.s32 $0x2800, v1;
	v6 =	vshll.u32 v3, $0x10  }
0xc7: {  	v3 =	vand.u32 $0xFFFF0000, v3;
	v6 =	vmul.f32 v6, v4  }
0xc8: {  	v3 =	vmul.f32 v3, v4  }
0xc9: {  	[tilespmem:v2+s17+$0x0] =	vst.idx.add.f32.msk $0xffff, v6  }
0xca: {  	[tilespmem:v5+s17+$0x0] =	vst.idx.add.f32.msk $0xffff, v3  }
0xcb: {  	v1 =	vld.idx.msk [tilespmem:v1+s2+$0x0], $0xffff;
	_ =	sdelay $0x2  }
0xcc: {  	v3 =	vadd.s32 $0x5000, v2  }
0xcd: {  	p0 =	sne.s32 s25, $0xC0;
	v2 =	vadd.s32 $0x7800, v2  }
.Ltmp2:
0xce: {  	v63 =	vshll.u32 v1, $0x10;
	(pc) =	sbr.rel @p0 .LBB2_7-.Ltmp2, $4  }
0xcf: {  	v1 =	vand.u32 $0xFFFF0000, v1;
	v5 =	vmul.f32 v63, v4  }
0xd0: {  	v1 =	vmul.f32 v1, v4  }
0xd1: {  	[tilespmem:v3+s17+$0x0] =	vst.idx.add.f32.msk $0xffff, v5  }
0xd2: {  	s25 =	sadd.s32 $0x40, s25;
	[tilespmem:v2+s17+$0x0] =	vst.idx.add.f32.msk $0xffff, v1  }
0xd3: {  	p0 =	seq.s32 s21, $0x13  }
0xd4: {  	s22 =	sshrl.u32 @!p0 s22, $0x3  }
0xd5: {  	s22 =	sadd.s32 @!p0 $0x7D0, s22  }
0xd6: {  	s24 =	simm.s32 @!p0 $0x0;
	s25 =	simm.s32 @!p0 $0xF000;
	s23 =	sadd.s32 @!p0 s3, s22  }
0xd7: {  	[tilespmem:s25], [sflag:$0x1] =	stream.linear.gather @!p0 [hbm4b:s23+s24], $0x1F40, $0x38;
	[tilespmem:$0x1AD00] =	vst v63  }
0xd8: {  	s23 =	sadd.s32 @!p0 s4, s22;
	s25 =	simm.s32 @!p0 $0x10F80  }
0xd9: {  	[tilespmem:s25], [sflag:$0x1] =	stream.linear.gather @!p0 [hbm4b:s23+s24], $0x1F40, $0x38;
	[tilespmem:$0x1AD00] =	vst v63  }
0xda: {  	s22 =	sadd.s32 @!p0 s5, s22;
	s23 =	simm.s32 @!p0 $0x12F00  }
0xdb: {  	[tilespmem:s23], [sflag:$0x1] =	stream.linear.gather @!p0 [hbm4b:s22+s24], $0x1F40, $0x38;
	[tilespmem:$0x1AD00] =	vst v63  }
0xdc: {  	_ =	swait.ge [sflag:s18], $0x1F40  }
0xdd: {  	[sflag:s18] =	ssyncset.done $0x0  }
0xde: {  	[sflag:s18] =	ssyncadd.s32 $0xFFFFE0C0  }
0xdf: {  	_ =	swait.ge [sflag:s18], $0x1F40  }
0xe0: {  	[sflag:s18] =	ssyncset.done $0x0  }
0xe1: {  	[sflag:s18] =	ssyncadd.s32 $0xFFFFE0C0  }
0xe2: {  	_ =	swait.ge [sflag:s18], $0x1F40  }
0xe3: {  	[sflag:s18] =	ssyncset.done $0x0  }
0xe4: {  	s31 =	simm.s32 $0x14EC0;
	[sflag:s18] =	ssyncadd.s32 $0xFFFFE0C0  }
0xe5: {  	v1 =	vld [tilespmem:s31+$0x30]  }
0xe6: {  	v2 =	vld [tilespmem:s31+$0xFFFFFFD0]  }
0xe7: {  	v3 =	vld [tilespmem:s31+$0xFFFFFFE0]  }
0xe8: {  	v4 =	vld [tilespmem:s31+$0xFFFFFFF0]  }
0xe9: {  	v5 =	vld [tilespmem:s31+$0x0]  }
0xea: {  	v6 =	vld [tilespmem:s31+$0x10]  }
0xeb: {  	s23 =	simm.s32 $0x16E40;
	v7 =	vld [tilespmem:s31+$0x20]  }
0xec: {  	v8 =	vld [tilespmem:s23+$0x30]  }
0xed: {  	s24 =	simm.s32 $0x18DC0;
	v10 =	vld [tilespmem:s31+$0xFFFFFFC0]  }
0xee: {  	v11 =	vld [tilespmem:s24+$0x30]  }
0xef: {  	v39 =	vld [tilespmem:s24+$0xFFFFFFC0]  }
0xf0: {  	v40 =	vld [tilespmem:s24+$0xFFFFFFD0]  }
0xf1: {  	v20 =	vld [tilespmem:s24+$0xFFFFFFE0]  }
0xf2: {  	v22 =	vld [tilespmem:s24+$0xFFFFFFF0]  }
0xf3: {  	v23 =	vld [tilespmem:s24+$0x0]  }
0xf4: {  	s22 =	simm.s32 $0x0;
	v25 =	vld [tilespmem:s24+$0x10]  }
0xf5: {  	v9 =	vld.idx.msk [tilespmem:v1+s22+$0x0], $0xffff  }
0xf6: {  	v26 =	vld [tilespmem:s24+$0x20]  }
0xf7: {  	v41 =	vld [tilespmem:s23+$0xFFFFFFD0]  }
0xf8: {  	v27 =	vld [tilespmem:s23+$0x0]  }
0xf9: {  	v30 =	vld [tilespmem:s23+$0x10];
	v15 =	vadd.s32 $0x2800, v8  }
0xfa: {  	v32 =	vld [tilespmem:s23+$0x20];
	v1 =	vadd.s32 $0x2800, v1;
	v17 =	vshll.u32 v9, $0x10  }
0xfb: {  	v12 =	vld.idx.msk [tilespmem:v2+s22+$0x0], $0xffff;
	v9 =	vand.u32 $0xFFFF0000, v9;
	v17 =	vmul.f32 v17, v11  }
0xfc: {  	v13 =	vld.idx.msk [tilespmem:v3+s22+$0x0], $0xffff;
	v9 =	vmul.f32 v9, v11  }
0xfd: {  	[tilespmem:v8+s17+$0x0] =	vst.idx.add.f32.msk $0xffff, v17  }
0xfe: {  	[tilespmem:v15+s17+$0x0] =	vst.idx.add.f32.msk $0xffff, v9  }
0xff: {  	v1 =	vld.idx.msk [tilespmem:v1+s22+$0x0], $0xffff  }
0x100: {  	v14 =	vld.idx.msk [tilespmem:v4+s22+$0x0], $0xffff  }
0x101: {  	v16 =	vld.idx.msk [tilespmem:v5+s22+$0x0], $0xffff;
	v29 =	vshll.u32 v12, $0x10  }
0x102: {  	v21 =	vadd.s32 $0x5000, v8;
	v18 =	vld.idx.msk [tilespmem:v6+s22+$0x0], $0xffff;
	v29 =	vmul.f32 v29, v40  }
0x103: {  	v19 =	vld.idx.msk [tilespmem:v7+s22+$0x0], $0xffff;
	v8 =	vadd.s32 $0x7800, v8  }
0x104: {  	[tilespmem:v41+s17+$0x0] =	vst.idx.add.f32.msk $0xffff, v29;
	v24 =	vshll.u32 v1, $0x10  }
0x105: {  	v9 =	vld.idx.msk [tilespmem:v10+s22+$0x0], $0xffff;
	v1 =	vand.u32 $0xFFFF0000, v1;
	v24 =	vmul.f32 v24, v11  }
0x106: {  	v1 =	vmul.f32 v1, v11;
	v11 =	vld [tilespmem:s23+$0xFFFFFFC0]  }
0x107: {  	v47 =	vshll.u32 v16, $0x10;
	[tilespmem:v21+s17+$0x0] =	vst.idx.add.f32.msk $0xffff, v24  }
0x108: {  	v31 =	vadd.s32 $0x2800, v41;
	v49 =	vmul.f32 v47, v23;
	[tilespmem:v8+s17+$0x0] =	vst.idx.add.f32.msk $0xffff, v1  }
0x109: {  	v2 =	vadd.s32 $0x2800, v2;
	v52 =	vshll.u32 v19, $0x10;
	v1 =	vld [tilespmem:s23+$0xFFFFFFE0]  }
0x10a: {  	v12 =	vand.u32 $0xFFFF0000, v12;
	v54 =	vmul.f32 v52, v26;
	[tilespmem:v27+s17+$0x0] =	vst.idx.add.f32.msk $0xffff, v49  }
0x10b: {  	v12 =	vmul.f32 v12, v40;
	v8 =	vld [tilespmem:s23+$0xFFFFFFF0];
	v28 =	vadd.s32 $0x2800, v11  }
0x10c: {  	[tilespmem:v32+s17+$0x0] =	vst.idx.add.f32.msk $0xffff, v54;
	v42 =	vshll.u32 v9, $0x10  }
0x10d: {  	[tilespmem:v31+s17+$0x0] =	vst.idx.add.f32.msk $0xffff, v12;
	v10 =	vadd.s32 $0x2800, v10;
	v9 =	vand.u32 $0xFFFF0000, v9;
	v24 =	vmul.f32 v42, v39  }
0x10e: {  	v43 =	vshll.u32 v13, $0x10;
	v2 =	vld.idx.msk [tilespmem:v2+s22+$0x0], $0xffff;
	v9 =	vmul.f32 v9, v39;
	v33 =	vadd.s32 $0x2800, v1  }
0x10f: {  	[tilespmem:v11+s17+$0x0] =	vst.idx.add.f32.msk $0xffff, v24;
	v24 =	vmul.f32 v43, v20  }
0x110: {  	v13 =	vand.u32 $0xFFFF0000, v13;
	v44 =	vadd.s32 $0x2800, v8;
	[tilespmem:v28+s17+$0x0] =	vst.idx.add.f32.msk $0xffff, v9  }
0x111: {  	v3 =	vadd.s32 $0x2800, v3;
	v13 =	vmul.f32 v13, v20;
	v9 =	vshll.u32 v14, $0x10;
	[tilespmem:v1+s17+$0x0] =	vst.idx.add.f32.msk $0xffff, v24  }
0x112: {  	v45 =	vand.u32 $0xFFFF0000, v14;
	v9 =	vmul.f32 v9, v22;
	v10 =	vld.idx.msk [tilespmem:v10+s22+$0x0], $0xffff  }
0x113: {  	v46 =	vadd.s32 $0x2800, v27;
	v12 =	vmul.f32 v45, v22;
	[tilespmem:v33+s17+$0x0] =	vst.idx.add.f32.msk $0xffff, v13  }
0x114: {  	v4 =	vadd.s32 $0x2800, v4;
	[tilespmem:v8+s17+$0x0] =	vst.idx.add.f32.msk $0xffff, v9;
	v9 =	vshll.u32 v18, $0x10  }
0x115: {  	v53 =	vadd.s32 $0x2800, v32;
	v48 =	vand.u32 $0xFFFF0000, v16;
	[tilespmem:v44+s17+$0x0] =	vst.idx.add.f32.msk $0xffff, v12;
	v9 =	vmul.f32 v9, v25  }
0x116: {  	v5 =	vadd.s32 $0x2800, v5;
	v13 =	vmul.f32 v48, v23;
	v3 =	vld.idx.msk [tilespmem:v3+s22+$0x0], $0xffff  }
0x117: {  	v50 =	vadd.s32 $0x2800, v30;
	[tilespmem:v30+s17+$0x0] =	vst.idx.add.f32.msk $0xffff, v9;
	v9 =	vand.u32 $0xFFFF0000, v19  }
0x118: {  	v6 =	vadd.s32 $0x2800, v6;
	[tilespmem:v46+s17+$0x0] =	vst.idx.add.f32.msk $0xffff, v13;
	v9 =	vmul.f32 v9, v26  }
0x119: {  	v7 =	vadd.s32 $0x2800, v7;
	v51 =	vand.u32 $0xFFFF0000, v18;
	v4 =	vld.idx.msk [tilespmem:v4+s22+$0x0], $0xffff  }
0x11a: {  	v12 =	vmul.f32 v51, v25;
	[tilespmem:v53+s17+$0x0] =	vst.idx.add.f32.msk $0xffff, v9;
	v9 =	vadd.s32 $0x5000, v11  }
0x11b: {  	v5 =	vld.idx.msk [tilespmem:v5+s22+$0x0], $0xffff;
	v11 =	vadd.s32 $0x7800, v11  }
0x11c: {  	v55 =	vadd.s32 $0x5000, v41;
	v56 =	vshll.u32 v10, $0x10;
	[tilespmem:v50+s17+$0x0] =	vst.idx.add.f32.msk $0xffff, v12  }
0x11d: {  	v57 =	vadd.s32 $0x7800, v41;
	v10 =	vand.u32 $0xFFFF0000, v10;
	v13 =	vmul.f32 v56, v39;
	v6 =	vld.idx.msk [tilespmem:v6+s22+$0x0], $0xffff  }
0x11e: {  	v59 =	vshll.u32 v2, $0x10;
	v58 =	vadd.s32 $0x5000, v1;
	v10 =	vmul.f32 v10, v39;
	v7 =	vld.idx.msk [tilespmem:v7+s22+$0x0], $0xffff  }
0x11f: {  	v2 =	vand.u32 $0xFFFF0000, v2;
	v1 =	vadd.s32 $0x7800, v1;
	[tilespmem:v9+s17+$0x0] =	vst.idx.add.f32.msk $0xffff, v13;
	v9 =	vmul.f32 v59, v40  }
0x120: {  	v2 =	vmul.f32 v2, v40;
	v60 =	vadd.s32 $0x5000, v8;
	v61 =	vshll.u32 v3, $0x10;
	[tilespmem:v11+s17+$0x0] =	vst.idx.add.f32.msk $0xffff, v10  }
0x121: {  	v8 =	vadd.s32 $0x7800, v8;
	v3 =	vand.u32 $0xFFFF0000, v3;
	[tilespmem:v55+s17+$0x0] =	vst.idx.add.f32.msk $0xffff, v9;
	v9 =	vmul.f32 v61, v20  }
0x122: {  	v10 =	vadd.s32 $0x5000, v27;
	v11 =	vshll.u32 v4, $0x10;
	[tilespmem:v57+s17+$0x0] =	vst.idx.add.f32.msk $0xffff, v2;
	v2 =	vmul.f32 v3, v20  }
0x123: {  	v62 =	vadd.s32 $0x7800, v27;
	v3 =	vand.u32 $0xFFFF0000, v4;
	v4 =	vmul.f32 v11, v22;
	[tilespmem:v58+s17+$0x0] =	vst.idx.add.f32.msk $0xffff, v9  }
0x124: {  	v11 =	vshll.u32 v5, $0x10;
	v9 =	vadd.s32 $0x5000, v30;
	v63 =	vmul.f32 v3, v22;
	[tilespmem:v1+s17+$0x0] =	vst.idx.add.f32.msk $0xffff, v2  }
0x125: {  	v1 =	vand.u32 $0xFFFF0000, v5;
	v2 =	vmul.f32 v11, v23;
	[tilespmem:v60+s17+$0x0] =	vst.idx.add.f32.msk $0xffff, v4  }
0x126: {  	v3 =	vadd.s32 $0x7800, v30;
	v4 =	vshll.u32 v6, $0x10;
	v5 =	vmul.f32 v1, v23;
	[tilespmem:v8+s17+$0x0] =	vst.idx.add.f32.msk $0xffff, v63  }
0x127: {  	v6 =	vand.u32 $0xFFFF0000, v6;
	v1 =	vadd.s32 $0x5000, v32;
	v8 =	vmul.f32 v4, v25;
	[tilespmem:v10+s17+$0x0] =	vst.idx.add.f32.msk $0xffff, v2  }
0x128: {  	v4 =	vshll.u32 v7, $0x10;
	v7 =	vand.u32 $0xFFFF0000, v7;
	v10 =	vmul.f32 v6, v25;
	[tilespmem:v62+s17+$0x0] =	vst.idx.add.f32.msk $0xffff, v5  }
0x129: {  	s26 =	simm.s32 $0x14F40;
	s25 =	simm.s32 $0x0;
	v2 =	vadd.s32 $0x7800, v32;
	v5 =	vmul.f32 v4, v26;
	v4 =	vmul.f32 v7, v26;
	[tilespmem:v9+s17+$0x0] =	vst.idx.add.f32.msk $0xffff, v8  }
.LBB2_9:
0x12a: {  	v13 =	vld [tilespmem:s26+$0x30]  }
0x12b: {  	v12 =	vld [tilespmem:s26+$0xFFFFFFD0]  }
0x12c: {  	s25 =	sadd.s32 $0x8, s25;
	v14 =	vld [tilespmem:s26+$0xFFFFFFE0]  }
0x12d: {  	p0 =	slt.u32 s25, $0x1E8;
	v15 =	vld [tilespmem:s26+$0xFFFFFFF0]  }
0x12e: {  	v16 =	vld [tilespmem:s26+$0x0]  }
0x12f: {  	v17 =	vld [tilespmem:s26+$0x10]  }
0x130: {  	s23 =	sadd.s32 $0x80, s23;
	v6 =	vadd.s32 $0x2800, v12;
	v18 =	vld [tilespmem:s26+$0x20]  }
0x131: {  	v7 =	vadd.s32 $0x2800, v14;
	v21 =	vld [tilespmem:s23+$0x30]  }
0x132: {  	v8 =	vadd.s32 $0x2800, v15;
	v20 =	vld.idx.msk [tilespmem:v13+s22+$0x0], $0xffff  }
0x133: {  	s24 =	sadd.s32 $0x80, s24;
	v22 =	vld [tilespmem:s26+$0xFFFFFFC0];
	v9 =	vadd.s32 $0x2800, v16  }
0x134: {  	v11 =	vadd.s32 $0x2800, v17;
	v23 =	vld [tilespmem:s24+$0x30]  }
0x135: {  	v24 =	vld.idx.msk [tilespmem:v12+s22+$0x0], $0xffff;
	v12 =	vadd.s32 $0x2800, v18  }
0x136: {  	v14 =	vld.idx.msk [tilespmem:v14+s22+$0x0], $0xffff  }
0x137: {  	v25 =	vadd.s32 $0x2800, v21;
	v15 =	vld.idx.msk [tilespmem:v15+s22+$0x0], $0xffff  }
0x138: {  	v13 =	vadd.s32 $0x2800, v13;
	v26 =	vshll.u32 v20, $0x10;
	v19 =	vadd.s32 $0x2800, v22;
	v16 =	vld.idx.msk [tilespmem:v16+s22+$0x0], $0xffff  }
0x139: {  	v20 =	vand.u32 $0xFFFF0000, v20;
	v17 =	vld.idx.msk [tilespmem:v17+s22+$0x0], $0xffff;
	v26 =	vmul.f32 v26, v23  }
0x13a: {  	v27 =	vld.idx.msk [tilespmem:v18+s22+$0x0], $0xffff;
	v18 =	vmul.f32 v20, v23  }
0x13b: {  	v28 =	vshll.u32 v24, $0x10;
	v24 =	vand.u32 $0xFFFF0000, v24;
	[tilespmem:v21+s17+$0x0] =	vst.idx.add.f32.msk $0xffff, v26  }
0x13c: {  	v26 =	vshll.u32 v14, $0x10;
	v29 =	vand.u32 $0xFFFF0000, v14;
	[tilespmem:v25+s17+$0x0] =	vst.idx.add.f32.msk $0xffff, v18  }
0x13d: {  	v25 =	vshll.u32 v15, $0x10;
	v30 =	vand.u32 $0xFFFF0000, v15;
	v31 =	vld.idx.msk [tilespmem:v13+s22+$0x0], $0xffff  }
0x13e: {  	v32 =	vshll.u32 v16, $0x10;
	v33 =	vand.u32 $0xFFFF0000, v16;
	v22 =	vld.idx.msk [tilespmem:v22+s22+$0x0], $0xffff  }
0x13f: {  	v34 =	vshll.u32 v17, $0x10;
	v35 =	vand.u32 $0xFFFF0000, v17;
	v20 =	vld [tilespmem:s24+$0xFFFFFFC0]  }
0x140: {  	v36 =	vshll.u32 v27, $0x10;
	v27 =	vand.u32 $0xFFFF0000, v27;
	v18 =	vld [tilespmem:s24+$0xFFFFFFD0]  }
0x141: {  	v37 =	vadd.s32 $0x5000, v21;
	v17 =	vld [tilespmem:s24+$0xFFFFFFE0]  }
0x142: {  	v21 =	vadd.s32 $0x7800, v21;
	v15 =	vld [tilespmem:s24+$0xFFFFFFF0]  }
0x143: {  	v16 =	vshll.u32 v31, $0x10;
	v13 =	vld [tilespmem:s24+$0x0]  }
0x144: {  	v31 =	vand.u32 $0xFFFF0000, v31;
	v38 =	vshll.u32 v22, $0x10;
	v39 =	vmul.f32 v16, v23;
	v14 =	vld [tilespmem:s24+$0x10]  }
0x145: {  	v22 =	vand.u32 $0xFFFF0000, v22;
	v23 =	vmul.f32 v31, v23;
	v38 =	vmul.f32 v38, v20;
	v16 =	vld [tilespmem:s24+$0x20]  }
0x146: {  	v22 =	vmul.f32 v22, v20;
	v28 =	vmul.f32 v28, v18;
	[tilespmem:v37+s17+$0x0] =	vst.idx.add.f32.msk $0xffff, v39  }
0x147: {  	v24 =	vmul.f32 v24, v18;
	v26 =	vmul.f32 v26, v17;
	[tilespmem:v21+s17+$0x0] =	vst.idx.add.f32.msk $0xffff, v23  }
0x148: {  	v23 =	vmul.f32 v29, v17;
	v25 =	vmul.f32 v25, v15;
	v21 =	vld [tilespmem:s23+$0xFFFFFFC0]  }
0x149: {  	v30 =	vmul.f32 v30, v15;
	v31 =	vmul.f32 v32, v13;
	v29 =	vld [tilespmem:s23+$0xFFFFFFD0]  }
0x14a: {  	v33 =	vmul.f32 v33, v13;
	v34 =	vmul.f32 v34, v14;
	v32 =	vld [tilespmem:s23+$0xFFFFFFE0]  }
0x14b: {  	v35 =	vmul.f32 v35, v14;
	v36 =	vmul.f32 v36, v16;
	v37 =	vld [tilespmem:s23+$0xFFFFFFF0]  }
0x14c: {  	v27 =	vmul.f32 v27, v16;
	v39 =	vld [tilespmem:s23+$0x0]  }
0x14d: {  	v40 =	vadd.s32 $0x2800, v21;
	v41 =	vadd.s32 $0x5000, v21;
	v42 =	vadd.s32 $0x7800, v21;
	v43 =	vld [tilespmem:s23+$0x10]  }
0x14e: {  	v44 =	vadd.s32 $0x2800, v29;
	v45 =	vadd.s32 $0x5000, v29;
	v46 =	vadd.s32 $0x7800, v29;
	v47 =	vld [tilespmem:s23+$0x20]  }
0x14f: {  	v48 =	vadd.s32 $0x2800, v32;
	v49 =	vadd.s32 $0x5000, v32;
	v50 =	vadd.s32 $0x7800, v32;
	[tilespmem:v3+s17+$0x0] =	vst.idx.add.f32.msk $0xffff, v10  }
0x150: {  	[tilespmem:v21+s17+$0x0] =	vst.idx.add.f32.msk $0xffff, v38;
	v10 =	vadd.s32 $0x2800, v37;
	v21 =	vadd.s32 $0x5000, v37;
	v38 =	vadd.s32 $0x7800, v37  }
0x151: {  	[tilespmem:v29+s17+$0x0] =	vst.idx.add.f32.msk $0xffff, v28;
	v28 =	vadd.s32 $0x2800, v39;
	v29 =	vadd.s32 $0x5000, v39;
	v51 =	vadd.s32 $0x7800, v39  }
0x152: {  	[tilespmem:v40+s17+$0x0] =	vst.idx.add.f32.msk $0xffff, v22;
	v22 =	vadd.s32 $0x2800, v43;
	v40 =	vadd.s32 $0x5000, v43;
	v3 =	vadd.s32 $0x7800, v43  }
0x153: {  	[tilespmem:v44+s17+$0x0] =	vst.idx.add.f32.msk $0xffff, v24;
	v24 =	vadd.s32 $0x2800, v47;
	v44 =	vadd.s32 $0x5000, v47;
	v52 =	vadd.s32 $0x7800, v47  }
0x154: {  	[tilespmem:v32+s17+$0x0] =	vst.idx.add.f32.msk $0xffff, v26  }
0x155: {  	[tilespmem:v48+s17+$0x0] =	vst.idx.add.f32.msk $0xffff, v23  }
0x156: {  	[tilespmem:v37+s17+$0x0] =	vst.idx.add.f32.msk $0xffff, v25  }
0x157: {  	[tilespmem:v10+s17+$0x0] =	vst.idx.add.f32.msk $0xffff, v30  }
0x158: {  	[tilespmem:v39+s17+$0x0] =	vst.idx.add.f32.msk $0xffff, v31  }
0x159: {  	[tilespmem:v28+s17+$0x0] =	vst.idx.add.f32.msk $0xffff, v33  }
0x15a: {  	[tilespmem:v43+s17+$0x0] =	vst.idx.add.f32.msk $0xffff, v34  }
0x15b: {  	[tilespmem:v22+s17+$0x0] =	vst.idx.add.f32.msk $0xffff, v35  }
0x15c: {  	[tilespmem:v47+s17+$0x0] =	vst.idx.add.f32.msk $0xffff, v36  }
0x15d: {  	[tilespmem:v24+s17+$0x0] =	vst.idx.add.f32.msk $0xffff, v27  }
0x15e: {  	v10 =	vld.idx.msk [tilespmem:v19+s22+$0x0], $0xffff  }
0x15f: {  	v6 =	vld.idx.msk [tilespmem:v6+s22+$0x0], $0xffff  }
0x160: {  	v7 =	vld.idx.msk [tilespmem:v7+s22+$0x0], $0xffff  }
0x161: {  	v8 =	vld.idx.msk [tilespmem:v8+s22+$0x0], $0xffff  }
0x162: {  	v9 =	vld.idx.msk [tilespmem:v9+s22+$0x0], $0xffff  }
0x163: {  	v11 =	vld.idx.msk [tilespmem:v11+s22+$0x0], $0xffff  }
0x164: {  	v19 =	vshll.u32 v10, $0x10;
	v10 =	vand.u32 $0xFFFF0000, v10;
	v12 =	vld.idx.msk [tilespmem:v12+s22+$0x0], $0xffff  }
0x165: {  	v19 =	vmul.f32 v19, v20;
	v22 =	vshll.u32 v6, $0x10;
	v6 =	vand.u32 $0xFFFF0000, v6;
	[tilespmem:v1+s17+$0x0] =	vst.idx.add.f32.msk $0xffff, v5;
	v1 =	vmovc v44  }
0x166: {  	v5 =	vmul.f32 v10, v20;
	v10 =	vshll.u32 v7, $0x10;
	v7 =	vand.u32 $0xFFFF0000, v7;
	[tilespmem:v2+s17+$0x0] =	vst.idx.add.f32.msk $0xffff, v4;
	v2 =	vmovc v52  }
0x167: {  	v4 =	vmul.f32 v22, v18;
	[tilespmem:v41+s17+$0x0] =	vst.idx.add.f32.msk $0xffff, v19;
	v19 =	vshll.u32 v8, $0x10;
	v8 =	vand.u32 $0xFFFF0000, v8  }
0x168: {  	[tilespmem:v42+s17+$0x0] =	vst.idx.add.f32.msk $0xffff, v5;
	v5 =	vmul.f32 v6, v18;
	v6 =	vshll.u32 v9, $0x10;
	v9 =	vand.u32 $0xFFFF0000, v9  }
0x169: {  	[tilespmem:v45+s17+$0x0] =	vst.idx.add.f32.msk $0xffff, v4;
	v4 =	vmul.f32 v10, v17;
	v10 =	vshll.u32 v11, $0x10;
	v11 =	vand.u32 $0xFFFF0000, v11  }
0x16a: {  	[tilespmem:v46+s17+$0x0] =	vst.idx.add.f32.msk $0xffff, v5;
	v5 =	vmul.f32 v7, v17;
	v7 =	vshll.u32 v12, $0x10;
	v12 =	vand.u32 $0xFFFF0000, v12  }
0x16b: {  	v8 =	vmul.f32 v8, v15;
	[tilespmem:v49+s17+$0x0] =	vst.idx.add.f32.msk $0xffff, v4;
	v4 =	vmul.f32 v19, v15  }
0x16c: {  	v6 =	vmul.f32 v6, v13;
	v9 =	vmul.f32 v9, v13;
	[tilespmem:v50+s17+$0x0] =	vst.idx.add.f32.msk $0xffff, v5  }
.Ltmp3:
0x16d: {  	v13 =	vmul.f32 v10, v14;
	v10 =	vmul.f32 v11, v14;
	[tilespmem:v21+s17+$0x0] =	vst.idx.add.f32.msk $0xffff, v4;
	(pc) =	sbr.rel @p0 .LBB2_9-.Ltmp3, $4  }
0x16e: {  	v5 =	vmul.f32 v7, v16;
	v4 =	vmul.f32 v12, v16;
	[tilespmem:v38+s17+$0x0] =	vst.idx.add.f32.msk $0xffff, v8  }
0x16f: {  	[tilespmem:v29+s17+$0x0] =	vst.idx.add.f32.msk $0xffff, v6  }
0x170: {  	[tilespmem:v51+s17+$0x0] =	vst.idx.add.f32.msk $0xffff, v9  }
0x171: {  	s26 =	sadd.s32 $0x80, s26;
	[tilespmem:v40+s17+$0x0] =	vst.idx.add.f32.msk $0xffff, v13  }
0x172: {  	_ =	sdelay $0x3  }
0x173: {  	[tilespmem:v3+s17+$0x0] =	vst.idx.add.f32.msk $0xffff, v10  }
0x174: {  	[tilespmem:v1+s17+$0x0] =	vst.idx.add.f32.msk $0xffff, v5  }
0x175: {  	[tilespmem:v2+s17+$0x0] =	vst.idx.add.f32.msk $0xffff, v4  }
.LBB2_11:
0x176: {  	s23 =	sshra.s32 s22, $0x2  }
0x177: {  	v1 =	vld [tilespmem:s23+$0x16D80];
	_ =	sdelay $0x6  }
0x178: {  	v2 =	vld [tilespmem:s23+$0x18D00]  }
0x179: {  	v3 =	vld.idx.msk [tilespmem:v1+s2+$0x0], $0xffff  }
0x17a: {  	v4 =	vld [tilespmem:s23+$0x1AC80];
	_ =	sdelay $0x2  }
0x17b: {  	v5 =	vadd.s32 $0x2800, v2  }
0x17c: {  	v1 =	vadd.s32 $0x2800, v1;
	v6 =	vshll.u32 v3, $0x10  }
0x17d: {  	v3 =	vand.u32 $0xFFFF0000, v3;
	v6 =	vmul.f32 v6, v4  }
0x17e: {  	v3 =	vmul.f32 v3, v4  }
0x17f: {  	[tilespmem:v2+s17+$0x0] =	vst.idx.add.f32.msk $0xffff, v6  }
0x180: {  	[tilespmem:v5+s17+$0x0] =	vst.idx.add.f32.msk $0xffff, v3  }
0x181: {  	v1 =	vld.idx.msk [tilespmem:v1+s2+$0x0], $0xffff;
	_ =	sdelay $0x2  }
0x182: {  	v3 =	vadd.s32 $0x5000, v2  }
0x183: {  	p0 =	sne.s32 s22, $0xC0;
	v2 =	vadd.s32 $0x7800, v2  }
.Ltmp4:
0x184: {  	v63 =	vshll.u32 v1, $0x10;
	(pc) =	sbr.rel @p0 .LBB2_11-.Ltmp4, $4  }
0x185: {  	v1 =	vand.u32 $0xFFFF0000, v1;
	v5 =	vmul.f32 v63, v4  }
0x186: {  	v1 =	vmul.f32 v1, v4  }
0x187: {  	[tilespmem:v3+s17+$0x0] =	vst.idx.add.f32.msk $0xffff, v5  }
0x188: {  	s22 =	sadd.s32 $0x40, s22;
	[tilespmem:v2+s17+$0x0] =	vst.idx.add.f32.msk $0xffff, v1  }
0x189: {  	s21 =	sadd.s32 $0x1, s21  }
0x18a: {  	p0 =	sne.s32 s21, $0x14  }
.Ltmp5:
0x18b: {  	_ = 	snop;
	(pc) =	sbr.rel @p0 .LBB2_4-.Ltmp5, $1  }
0x18c: {  	_ =	sdelay $0x3  }
0x18d: {  	s19 =	sadd.s32 $0x1, s19  }
0x18e: {  	p0 =	sne.s32 s19, s8  }
.Ltmp6:
0x18f: {  	_ = 	snop;
	(pc) =	sbr.rel @p0 .LBB2_1-.Ltmp6, $4  }
0x190: {  	[hbm4b:s7+s2] =	stream.linear.scatter [tilespmem:s17], [sflag:$0x3], $0xA000, $0x38;
	[tilespmem:$0x1AD00] =	vst v63  }
0x191: {  	_ =	swait.ge [sflag:s12], $0xA000  }
0x192: {  	[sflag:s12] =	ssyncset.done $0x0  }
0x193: {  	[sflag:s12] =	ssyncadd.s32 $0xFFFF6000  }
0x194: {  	_ =	sfence.sel $0x180000  }
0x195: {  	[bflag:$0x0] =	sbarrier.arrive $0xFFFF  }
0x196: {  	p0 =	sne.s32 s0, $0x0;
	_ =	strace $0x9000004A  }
0x197: {  	s0 =	sadd.s32 @!p0 $0x100000, s1;
	[bflag:$0x2] =	sbarrier.arrive $0xFFFF  }
0x198: {  	[sflag:s0] =	ssyncadd.tile.s32 @!p0 $0x1;
	_ =	shalt  }
.Lfunc_end2:
_tile_overlayer_lowered:
.L_overlay_start_2:
0x199: {  	(tag) =	ssettag $0x2  }
0x19a: {  	s0 =	rddreg [dreg:$0x0];
	s2 =	stileid.u32  }
0x19b: {  	s1 =	rddreg [dreg:$0x1];
	p0 =	sne.s32 s2, $0x0  }
0x19c: {  	s3 =	rddreg [dreg:$0x2];
	[bflag:$0x3] =	sbarrier.arrive $0xFFFF;
	s2 =	simm.s32 @!p0 $0x1C03  }
0x19d: {  	[timem:s3], [sflag:s2] =	dma.local @!p0 [hbm:s0], s1  }
0x19e: {  	s0 =	simm.s32 @!p0 $0x3  }
0x19f: {  	_ =	swait.ge @!p0 [sflag:s0], s1  }
0x1a0: {  	s1 =	ssub.s32 @!p0 $0x0, s1;
	[sflag:s0] =	ssyncset.done @!p0 $0x0  }
0x1a1: {  	[sflag:s0] =	ssyncadd.s32 @!p0 s1  }
0x1a2: {  	[bflag:$0x3] =	sbarrier.arrive $0xFFFF  }
0x1a3: {  	_ =	shalt  }

// kernel: kernel.14.cloned.1.call-start
scs
__scs_entry_jumppad:
0x0: {  	(pc) =	sbr.rel $0x88, $3  }
0x1: {  	(tag) =	ssettag $0x0;
	lr =	simm.s32 $0x1  }
0x2: {  	[smem:$0x3F98] =	sst lr;
	_ =	strace $0xD0000000  }
0x3: {  	_ = 	snop  }
0x4: {  	_ = 	snop  }
0x5: {  	_ = 	snop  }
0x6: {  	_ = 	snop  }
0x7: {  	_ = 	snop  }
__scs_overlays_trampoline_lowered:
0x8: {  	[smem:$0x3FA7] =	sst s0  }
0x9: {  	[smem:$0x3FA8] =	sst s1  }
0xa: {  	[smem:$0x3FA9] =	sst s2  }
0xb: {  	[smem:$0x3FAA] =	sst s3  }
0xc: {  	[smem:$0x3FAB] =	sst s4  }
0xd: {  	[smem:$0x3FAC] =	sst s5  }
0xe: {  	[smem:$0x3FAD] =	sst s6  }
0xf: {  	[smem:$0x3FAE] =	sst s7  }
0x10: {  	[smem:$0x3FAF] =	sst s8  }
0x11: {  	[smem:$0x3FB0] =	sst s9;
	s0 =	simm.s32 @!p0 $0x0  }
0x12: {  	s1 =	sld [smem:$0x3F96];
	s0 =	simm.s32 @p0 $0x1  }
0x13: {  	[smem:$0x3FB1] =	sst s0;
	s0 =	simm.s32 @!p1 $0x0  }
0x14: {  	s2 =	sld [smem:$0x3F95];
	s0 =	simm.s32 @p1 $0x1  }
0x15: {  	[smem:$0x3FB2] =	sst s0;
	s0 =	simm.s32 @!p2 $0x0  }
0x16: {  	s3 =	sld [smem:$0x3FDB];
	s0 =	simm.s32 @p2 $0x1  }
0x17: {  	s4 =	simm.s32 $0x1BF5;
	[smem:$0x3FB4] =	sst s0  }
0x18: {  	s0 =	sld [smem:$0x3F97];
	_ =	swait.ge [sflag:s4], $0x0  }
0x19: {  	s7 =	sld [smem:$0x3F98]  }
0x1a: {  	s8 =	sadd.s32 $0xFFFFE003, lr  }
0x1b: {  	s9 =	sadd.s32 $0xFFFFFEF7, lr;
	s5 =	simm.s32 $0xFFFFFFFF;
	p2 =	slt.u32 s8, $0xFFFFF086  }
0x1c: {  	p1 =	slt.u32 s9, $0xF7A;
	s5 =	simm.s32 @!p2 $0x0  }
0x1d: {  	s5 =	simm.s32 @p1 $0x1;
	p0 =	seq.s32 s7, s2  }
0x1e: {  	s7 =	smul.u32 @!p0 $0xF7A, s2;
	p2 =	seq.s32 @!p0 s5, $0x0  }
0x1f: {  	s9 =	smul.u32 $0xF7A, s1;
	s8 =	simm.s32 @!p0 $0x1BF5;
	p2 =	por !p2, p0  }
0x20: {  	[sflag:s8] =	ssyncset.s32 @!p0 $0xFFFFF086;
	s6 =	sadd.s32 @!p0 s3, s7;
	s7 =	simm.s32 @!p0 $0x108  }
0x21: {  	s3 =	sadd.s32 s3, s9;
	s6 =	sadd.s32 @!p0 $0x88, s6;
	s7 =	simm.s32 @p2 $0x1082  }
0x22: {  	[simem:s7], [sflag:s8] =	dma.local @!p0 [hbm:s6], $0xF7A  }
0x23: {  	s9 =	sor.u32 $0xD0000000, s2;
	s6 =	simm.s32 $0x108;
	_ =	swait.ge @!p0 [sflag:s8], $0x0  }
0x24: {  	s3 =	sadd.s32 $0x88, s3;
	s6 =	simm.s32 @!p1 $0x1082;
	[sflag:s4] =	ssyncset.s32 $0xFFFFF086  }
0x25: {  	[simem:s6], [sflag:s4] =	dma.local [hbm:s3], $0xF7A  }
0x26: {  	[smem:$0x3F98] =	sst s1;
	(tag) =	ssettag s2;
	_ =	strace s9  }
0x27: {  	s1 =	sld [smem:$0x3FA8]  }
0x28: {  	s2 =	sld [smem:$0x3FA9]  }
0x29: {  	s4 =	sld [smem:$0x3FAB]  }
0x2a: {  	p0 =	seq.s32 s5, $0x0;
	s5 =	sld [smem:$0x3FAC]  }
0x2b: {  	s6 =	sld [smem:$0x3FAD]  }
0x2c: {  	s7 =	sld [smem:$0x3FAE]  }
0x2d: {  	s3 =	simm.s32 $0x108;
	s8 =	sld [smem:$0x3FAF]  }
0x2e: {  	s3 =	simm.s32 @!p0 $0x1082;
	s9 =	sld [smem:$0x3FB0]  }
0x2f: {  	lr =	sadd.s32 s0, s3;
	s0 =	sld [smem:$0x3FA7]  }
0x30: {  	s3 =	sld [smem:$0x3FAA]  }
0x31: {  	[smem:$0x3FB3] =	sst s10  }
0x32: {  	s10 =	sld [smem:$0x3FB1];
	_ =	sdelay $0x3  }
0x33: {  	p0 =	seq.s32 s10, $0x1;
	s10 =	sld [smem:$0x3FB3];
	_ =	sdelay $0x3  }
0x34: {  	[smem:$0x3FB3] =	sst s10  }
0x35: {  	s10 =	sld [smem:$0x3FB2];
	_ =	sdelay $0x3  }
0x36: {  	p1 =	seq.s32 s10, $0x1;
	s10 =	sld [smem:$0x3FB3];
	_ =	sdelay $0x3  }
0x37: {  	[smem:$0x3FB3] =	sst s10  }
0x38: {  	s10 =	sld [smem:$0x3FB4]  }
0x39: {  	_ = 	snop;
	(pc) =	sbr.ind lr, $3  }
0x3a: {  	_ = 	snop  }
0x3b: {  	_ = 	snop  }
0x3c: {  	p2 =	seq.s32 s10, $0x1;
	s10 =	sld [smem:$0x3FB3]  }
0x3d: {  	_ =	shalt  }
0x3e: {  	_ =	shalt  }
0x3f: {  	_ =	shalt  }
0x40: {  	_ =	shalt  }
0x41: {  	_ =	shalt  }
0x42: {  	_ =	shalt  }
0x43: {  	_ =	shalt  }
0x44: {  	_ =	shalt  }
0x45: {  	_ =	shalt  }
0x46: {  	_ =	shalt  }
0x47: {  	_ =	shalt  }
0x48: {  	_ =	shalt  }
0x49: {  	_ =	shalt  }
0x4a: {  	_ =	shalt  }
0x4b: {  	_ =	shalt  }
0x4c: {  	_ =	shalt  }
0x4d: {  	_ =	shalt  }
0x4e: {  	_ =	shalt  }
0x4f: {  	_ =	shalt  }
0x50: {  	_ =	shalt  }
0x51: {  	_ =	shalt  }
0x52: {  	_ =	shalt  }
0x53: {  	_ =	shalt  }
0x54: {  	_ =	shalt  }
0x55: {  	_ =	shalt  }
0x56: {  	_ =	shalt  }
0x57: {  	_ =	shalt  }
0x58: {  	_ =	shalt  }
0x59: {  	_ =	shalt  }
0x5a: {  	_ =	shalt  }
0x5b: {  	_ =	shalt  }
0x5c: {  	_ =	shalt  }
0x5d: {  	_ =	shalt  }
0x5e: {  	_ =	shalt  }
0x5f: {  	_ =	shalt  }
0x60: {  	_ =	shalt  }
0x61: {  	_ =	shalt  }
0x62: {  	_ =	shalt  }
0x63: {  	_ =	shalt  }
0x64: {  	_ =	shalt  }
0x65: {  	_ =	shalt  }
0x66: {  	_ =	shalt  }
0x67: {  	_ =	shalt  }
0x68: {  	_ =	shalt  }
0x69: {  	_ =	shalt  }
0x6a: {  	_ =	shalt  }
0x6b: {  	_ =	shalt  }
0x6c: {  	_ =	shalt  }
0x6d: {  	_ =	shalt  }
0x6e: {  	_ =	shalt  }
0x6f: {  	_ =	shalt  }
0x70: {  	_ =	shalt  }
0x71: {  	_ =	shalt  }
0x72: {  	_ =	shalt  }
0x73: {  	_ =	shalt  }
0x74: {  	_ =	shalt  }
0x75: {  	_ =	shalt  }
0x76: {  	_ =	shalt  }
0x77: {  	_ =	shalt  }
0x78: {  	_ =	shalt  }
0x79: {  	_ =	shalt  }
0x7a: {  	_ =	shalt  }
0x7b: {  	_ =	shalt  }
0x7c: {  	_ =	shalt  }
0x7d: {  	_ =	shalt  }
0x7e: {  	_ =	shalt  }
0x7f: {  	_ =	shalt  }
0x80: {  	_ =	shalt  }
0x81: {  	_ =	shalt  }
0x82: {  	_ =	shalt  }
0x83: {  	_ =	shalt  }
0x84: {  	_ =	shalt  }
0x85: {  	_ =	shalt  }
0x86: {  	_ =	shalt  }
0x87: {  	_ =	shalt  }
.Lfunc_end0:
.L_simem_size_0:
called_computation.2_lowered:
.L_overlay_start_0:
0x88: {  	s2 =	sld [smem:$0x3FD9]  }
0x89: {  	s3 =	sld [smem:$0x3FFE];
	_ =	sdelay $0x1  }
0x8a: {  	s1 =	srdreg.scid  }
0x8b: {  	s0 =	sand.u32 $0x1, s1  }
0x8c: {  	s17 =	sshll.u32 s0, $0xA;
	s2 =	sadd.s32 s3, s2  }
0x8d: {  	s2 =	sadd.s32 s2, s17  }
0x8e: {  	[smem:$0x3FBF] =	sst s2  }
0x8f: {  	_ = 	snop  }
0x90: {  	(tm) =	ssettm $0x1  }
0x91: {  	s18 =	sld [smem:$0x3FFB];
	_ =	sdelay $0x3  }
0x92: {  	_ =	strace s18  }
0x93: {  	s2 =	sld [smem:$0x3FFC];
	_ =	sdelay $0x3  }
0x94: {  	_ =	strace s2  }
0x95: {  	s2 =	sld [smem:$0x3FFD];
	_ =	sdelay $0x3  }
0x96: {  	_ =	strace s2  }
0x97: {  	_ =	strace $0x8FFFFFFF  }
0x98: {  	s19 =	sld [smem:$0x3FDB];
	_ =	sdelay $0x1  }
0x99: {  	s20 =	simm.s32 $_scs_section_size  }
0x9a: {  	s4 =	simm.s32 $_size__tile_overlayer_lowered;
	s5 =	simm.s32 $_tile_overlayer_lowered  }
0x9b: {  	s6 =	simm.s32 $0x1BFF;
	s21 =	sshll.u32 s5, $0x1;
	s3 =	sadd.s32 s20, s19  }
0x9c: {  	s22 =	simm.s32 $0x0;
	s4 =	sshll.u32 s4, $0x1;
	s5 =	sadd.s32 s21, s3  }
0x9d: {  	[timem:s22], [sflag:s6] =	dma.local [hbm:s5], s4  }
0x9e: {  	_ =	swait.ge [sflag:s6], s4  }
0x9f: {  	s4 =	ssub.s32 $0x0, s4;
	[sflag:s6] =	ssyncset.done $0x0  }
0xa0: {  	[sflag:s6] =	ssyncadd.s32 s4;
	_ =	sdelay $0x1  }
0xa1: {  	s23 =	simm.s32 $0x1B8B  }
0xa2: {  	_ =	swait.ge [sflag:s23], $0x1  }
0xa3: {  	[sflag:s23] =	ssyncset.done $0x0  }
0xa4: {  	[sflag:s23] =	ssyncadd.s32 $0xFFFFFFFF  }
0xa5: {  	s4 =	sld [smem:$0x0]  }
0xa6: {  	s5 =	sand.u32 $0xFFFFFFFE, s1  }
0xa7: {  	p0 =	sne.s32 s1, s5  }
0xa8: {  	s5 =	sshll.u32 @p0 s5, $0xE  }
0xa9: {  	s5 =	sadd.s32 @p0 $0x11B8D, s5;
	s6 =	sshll.u32 @p0 s4, $0x11  }
0xaa: {  	s5 =	sor.u32 @p0 s6, s5  }
0xab: {  	[sflag:s5] =	ssyncadd.remote.s32 @p0 $0x1;
	_ =	sdelay $0x1  }
0xac: {  	s5 =	simm.s32 @p0 $0x1B8D  }
0xad: {  	_ =	swait.eq @p0 [sflag:s5], $0x1  }
0xae: {  	[sflag:s5] =	ssyncadd.s32 @p0 $0xFFFFFFFF  }
0xaf: {  	s6 =	sshll.u32 @!p0 s1, $0xE  }
0xb0: {  	s6 =	sor.u32 @!p0 $0x4000, s6;
	s5 =	simm.s32 @!p0 $0x1B8D  }
0xb1: {  	s4 =	sshll.u32 @!p0 s4, $0x11;
	s6 =	sadd.s32 @!p0 $0x11B8D, s6;
	_ =	swait.eq @!p0 [sflag:s5], $0x1  }
0xb2: {  	s4 =	sor.u32 @!p0 s4, s6;
	[sflag:s5] =	ssyncadd.s32 @!p0 $0xFFFFFFFF  }
0xb3: {  	s25 =	simm.s32 $0x1B8E;
	s24 =	sld [smem:$0x3FFE];
	[sflag:s4] =	ssyncadd.remote.s32 @!p0 $0x1  }
0xb4: {  	s26 =	simm.s32 $execute0_lowered;
	[smem:$0x3FD2] =	sst s25  }
0xb5: {  	s5 =	sshll.u32 s26, $0x1;
	_ =	strace $0x8000004C;
	[dreg:$0x1] =	wrdreg $0xFFFFFFFF  }
0xb6: {  	s28 =	simm.s32 $_size_execute0_lowered;
	s3 =	sadd.s32 s3, s5;
	[dreg:$0x0] =	wrdreg $0x0  }
0xb7: {  	s5 =	sshll.u32 s28, $0x1;
	[dreg:$0x2] =	wrdreg s3  }
0xb8: {  	[dreg:$0x3] =	wrdreg s5  }
0xb9: {  	[dreg:$0x4] =	wrdreg $0xC0  }
0xba: {  	_ =	task [dreg:s22], $0x5FFFF  }
0xbb: {  	[dreg:$0x1] =	wrdreg $0xFFFFFFFF  }
0xbc: {  	[dreg:$0x0] =	wrdreg $0x60  }
0xbd: {  	[dreg:$0x2] =	wrdreg s24  }
0xbe: {  	[dreg:$0x3] =	wrdreg $0xA  }
0xbf: {  	_ =	task.clear_ibuf [dreg:s22], $0x4FFFF;
	_ =	strace $0x9000004C  }
0xc0: {  	s29 =	simm.s32 $0xA;
	_ =	strace $0x8000004E  }
0xc1: {  	_ =	swait.ge [sflag:s29], $0x1  }
0xc2: {  	[sflag:s29] =	ssyncadd.s32 $0xFFFFFFFF  }
0xc3: {  	_ =	strace $0x9000004E  }
0xc4: {  	_ =	sfence  }
0xc5: {  	s30 =	sld [smem:$0x0];
	_ =	sdelay $0x2  }
0xc6: {  	s31 =	sshll.u32 s1, $0xD;
	s1 =	sshrl.u32 s1, $0x2  }
0xc7: {  	s4 =	sand.u32 $0x4000, s31;
	s1 =	sadd.s32 s1, s30  }
0xc8: {  	s0 =	sor.u32 s4, s0;
	s1 =	sshll.u32 s1, $0x11  }
0xc9: {  	s0 =	sor.u32 s1, s0  }
0xca: {  	s0 =	sadd.s32 $0x8F2B, s0  }
0xcb: {  	[sflag:s0] =	ssyncadd.remote.s32 $0x1  }
0xcc: {  	_ =	sfence.sel $0xFFFF  }
0xcd: {  	[dreg:$0x0] =	wrdreg $0xFFFFFFFF;
	(pc) =	sbr.abs _section_cstart, $3  }
0xce: {  	[dreg:$0x1] =	wrdreg $0xFFFFFFFF  }
0xcf: {  	_ =	task.clear_ibuf [dreg:s22], $0x2FFFF;
	_ =	strace $0x9FFFFFFF  }
0xd0: {  	(tm) =	ssettm $0x7FFFFFFF  }
0xd1: {  	_ =	shalt  }
tec
execute0_lowered:
.L_overlay_start_1:
0x0: {  	(tag) =	ssettag $0x1  }
0x1: {  	s7 =	rddreg [dreg:$0x0]  }
0x2: {  	s0 =	rddreg [dreg:$0x1];
	s2 =	simm.s32 $0x0;
	s3 =	srdreg.scid  }
0x3: {  	s1 =	stileid.u32;
	s12 =	simm.s32 $0x3000;
	s13 =	simm.s32 $0x3800  }
0x4: {  	s14 =	simm.s32 $0x4000;
	s15 =	simm.s32 $0x0;
	[smem:$0x7FF] =	sst s2  }
0x5: {  	s4 =	sand.u32 $0x1, s3;
	s31 =	sshll.u32 s1, $0x1;
	s3 =	sadd.s32 $0xA00, s7  }
0x6: {  	s5 =	sadd.s32 $0x28200, s7;
	s8 =	sor.u32 s4, s31;
	s10 =	ssub.s32 $0x2, s4  }
0x7: {  	s6 =	sadd.s32 $0x4FE00, s7;
	s9 =	smul.u32 $0x500, s8;
	s11 =	sshrl.u32 s10, $0x1  }
0x8: {  	_ =	strace $0x8000004D;
	s4 =	sadd.s32 $0x32000, s7;
	s10 =	ssub.s32 s10, s11  }
0x9: {  	s11 =	simm.s32 $0x2800;
	s9 =	sadd.s32 s9, s7;
	s7 =	smul.u32 $0x2710, s8  }
0xa: {  	v0 =	vimm.f32 $0.0e+00;
	s8 =	sadd.s32 $0x1000, s9;
	s9 =	smax.u32 s10, $0x1;
	s10 =	simm.s32 $0x1  }
.LBB2_1:
0xb: {  	[tilespmem:s2], [sflag:$0x1] =	stream.linear.gather [hbm4b:s3+s2], $0x2800, $0x38;
	[tilespmem:$0x6800] =	vst v63  }
0xc: {  	_ =	swait.ge [sflag:s10], $0x2800  }
0xd: {  	[sflag:s10] =	ssyncset.done $0x0  }
0xe: {  	s16 =	simm.s32 $0x0;
	[sflag:s10] =	ssyncadd.s32 $0xFFFFD800  }
.LBB2_2:
0xf: {  	p0 =	sne.s32 s16, $0x9FC0  }
.Ltmp0:
0x10: {  	_ = 	snop;
	(pc) =	sbr.rel @p0 .LBB2_2-.Ltmp0, $3  }
0x11: {  	_ =	sdelay $0x1  }
0x12: {  	s17 =	sshra.s32 s16, $0x2  }
0x13: {  	s16 =	sadd.s32 $0x40, s16;
	[tilespmem:s17+$0x4000] =	vst v0  }
0x14: {  	s16 =	simm.s32 $0x0;
	s17 =	simm.s32 $0x0  }
.LBB2_4:
0x15: {  	s18 =	smul.u32 $0x7D0, s17;
	_ =	sdelay $0x1  }
0x16: {  	s18 =	sadd.s32 s7, s18  }
0x17: {  	s18 =	sshrl.u32 s18, $0x3  }
0x18: {  	s19 =	sadd.s32 s4, s18  }
0x19: {  	[tilespmem:s11], [sflag:$0x1] =	stream.linear.gather [hbm4b:s19+s2], $0x7D0, $0x38;
	[tilespmem:$0x6800] =	vst v63  }
0x1a: {  	_ =	swait.ge [sflag:s10], $0x7D0  }
0x1b: {  	[sflag:s10] =	ssyncset.done $0x0  }
0x1c: {  	s31 =	sadd.s32 s5, s18;
	[sflag:s10] =	ssyncadd.s32 $0xFFFFF830  }
0x1d: {  	[tilespmem:s12], [sflag:$0x1] =	stream.linear.gather [hbm4b:s31+s2], $0x7D0, $0x38;
	[tilespmem:$0x6800] =	vst v63  }
0x1e: {  	_ =	swait.ge [sflag:s10], $0x7D0  }
0x1f: {  	[sflag:s10] =	ssyncset.done $0x0  }
0x20: {  	s18 =	sadd.s32 s6, s18;
	[sflag:s10] =	ssyncadd.s32 $0xFFFFF830  }
0x21: {  	[tilespmem:s13], [sflag:$0x1] =	stream.linear.gather [hbm4b:s18+s2], $0x7D0, $0x38;
	[tilespmem:$0x6800] =	vst v63  }
0x22: {  	_ =	swait.ge [sflag:s10], $0x7D0  }
0x23: {  	[sflag:s10] =	ssyncset.done $0x0  }
0x24: {  	s20 =	simm.s32 $0x3040;
	[sflag:s10] =	ssyncadd.s32 $0xFFFFF830  }
0x25: {  	v1 =	vld [tilespmem:s20+$0x30]  }
0x26: {  	v2 =	vld [tilespmem:s20+$0xFFFFFFD0]  }
0x27: {  	v3 =	vld [tilespmem:s20+$0xFFFFFFE0]  }
0x28: {  	v4 =	vld [tilespmem:s20+$0xFFFFFFF0]  }
0x29: {  	v5 =	vld [tilespmem:s20+$0x0]  }
0x2a: {  	s18 =	simm.s32 $0x2840;
	v6 =	vld [tilespmem:s20+$0x10]  }
0x2b: {  	s19 =	simm.s32 $0x3840;
	v7 =	vld [tilespmem:s18+$0x30]  }
0x2c: {  	v8 =	vld [tilespmem:s19+$0x30]  }
0x2d: {  	v9 =	vld [tilespmem:s20+$0x20]  }
0x2e: {  	v10 =	vld [tilespmem:s20+$0xFFFFFFC0]  }
0x2f: {  	v56 =	vld [tilespmem:s18+$0xFFFFFFD0]  }
0x30: {  	v57 =	vld [tilespmem:s19+$0xFFFFFFD0]  }
0x31: {  	v58 =	vld [tilespmem:s19+$0xFFFFFFE0]  }
0x32: {  	v11 =	vld [tilespmem:s19+$0xFFFFFFF0]  }
0x33: {  	v12 =	vld [tilespmem:s18+$0xFFFFFFE0]  }
0x34: {  	v13 =	vld [tilespmem:s19+$0x0]  }
0x35: {  	v14 =	vld [tilespmem:s19+$0x10]  }
0x36: {  	v59 =	vld [tilespmem:s18+$0xFFFFFFF0]  }
0x37: {  	v60 =	vld [tilespmem:s18+$0x0]  }
0x38: {  	v61 =	vld [tilespmem:s18+$0x20]  }
0x39: {  	v62 =	vld [tilespmem:s19+$0x20]  }
0x3a: {  	v1 =	vld.idx.msk [tilespmem:v1+s16+$0x0], $0xffff  }
0x3b: {  	v2 =	vld.idx.msk [tilespmem:v2+s16+$0x0], $0xffff  }
0x3c: {  	v15 =	vld [tilespmem:s19+$0xFFFFFFC0]  }
0x3d: {  	v3 =	vld.idx.msk [tilespmem:v3+s16+$0x0], $0xffff  }
0x3e: {  	v4 =	vld.idx.msk [tilespmem:v4+s16+$0x0], $0xffff  }
0x3f: {  	v5 =	vld.idx.msk [tilespmem:v5+s16+$0x0], $0xffff;
	v1 =	vmul.f32 v1, v8  }
0x40: {  	v55 =	vld.idx.msk [tilespmem:v9+s16+$0x0], $0xffff;
	v2 =	vmul.f32 v2, v57  }
0x41: {  	[tilespmem:v7+s14+$0x0] =	vst.idx.add.f32.msk $0xffff, v1  }
0x42: {  	[tilespmem:v56+s14+$0x0] =	vst.idx.add.f32.msk $0xffff, v2  }
0x43: {  	v2 =	vmul.f32 v3, v58;
	v3 =	vld [tilespmem:s18+$0x10]  }
0x44: {  	v4 =	vmul.f32 v4, v11;
	v1 =	vld.idx.msk [tilespmem:v6+s16+$0x0], $0xffff  }
0x45: {  	v10 =	vld.idx.msk [tilespmem:v10+s16+$0x0], $0xffff;
	v5 =	vmul.f32 v5, v13  }
0x46: {  	v63 =	vmul.f32 v55, v62;
	[tilespmem:v59+s14+$0x0] =	vst.idx.add.f32.msk $0xffff, v4  }
0x47: {  	[tilespmem:v60+s14+$0x0] =	vst.idx.add.f32.msk $0xffff, v5  }
0x48: {  	[tilespmem:v61+s14+$0x0] =	vst.idx.add.f32.msk $0xffff, v63  }
0x49: {  	[tilespmem:v12+s14+$0x0] =	vst.idx.add.f32.msk $0xffff, v2;
	v1 =	vmul.f32 v1, v14  }
0x4a: {  	v2 =	vld [tilespmem:s18+$0xFFFFFFC0]  }
0x4b: {  	s21 =	simm.s32 $0x30C0;
	s20 =	simm.s32 $0x0;
	[tilespmem:v3+s14+$0x0] =	vst.idx.add.f32.msk $0xffff, v1;
	v1 =	vmul.f32 v10, v15  }
.LBB2_5:
0x4c: {  	v3 =	vld [tilespmem:s21+$0x30];
	s20 =	sadd.s32 $0x8, s20  }
0x4d: {  	v4 =	vld [tilespmem:s21+$0xFFFFFFC0];
	p0 =	slt.u32 s20, $0x70  }
0x4e: {  	v5 =	vld [tilespmem:s21+$0xFFFFFFD0]  }
0x4f: {  	v6 =	vld [tilespmem:s21+$0xFFFFFFE0]  }
0x50: {  	v7 =	vld [tilespmem:s21+$0xFFFFFFF0]  }
0x51: {  	v8 =	vld [tilespmem:s21+$0x0]  }
0x52: {  	s18 =	sadd.s32 $0x80, s18;
	v9 =	vld [tilespmem:s21+$0x10]  }
0x53: {  	s22 =	simm.s32 $0x0;
	v10 =	vld [tilespmem:s18+$0x30]  }
0x54: {  	s19 =	sadd.s32 $0x80, s19;
	v3 =	vld.idx.msk [tilespmem:v3+s22+$0x0], $0xffff  }
0x55: {  	v11 =	vld [tilespmem:s19+$0x30]  }
0x56: {  	v12 =	vld [tilespmem:s21+$0x20]  }
0x57: {  	v4 =	vld.idx.msk [tilespmem:v4+s22+$0x0], $0xffff  }
0x58: {  	v5 =	vld.idx.msk [tilespmem:v5+s22+$0x0], $0xffff  }
0x59: {  	v6 =	vld.idx.msk [tilespmem:v6+s22+$0x0], $0xffff  }
0x5a: {  	v7 =	vld.idx.msk [tilespmem:v7+s22+$0x0], $0xffff;
	v3 =	vmul.f32 v3, v11  }
0x5b: {  	v8 =	vld.idx.msk [tilespmem:v8+s22+$0x0], $0xffff  }
0x5c: {  	[tilespmem:v10+s14+$0x0] =	vst.idx.add.f32.msk $0xffff, v3  }
0x5d: {  	v3 =	vld.idx.msk [tilespmem:v9+s22+$0x0], $0xffff  }
0x5e: {  	v9 =	vld.idx.msk [tilespmem:v12+s22+$0x0], $0xffff  }
0x5f: {  	v10 =	vld [tilespmem:s19+$0xFFFFFFC0]  }
0x60: {  	v11 =	vld [tilespmem:s19+$0xFFFFFFD0]  }
0x61: {  	v12 =	vld [tilespmem:s19+$0xFFFFFFE0]  }
0x62: {  	v13 =	vld [tilespmem:s19+$0xFFFFFFF0]  }
0x63: {  	v14 =	vld [tilespmem:s19+$0x0]  }
0x64: {  	v4 =	vmul.f32 v4, v10;
	v10 =	vld [tilespmem:s19+$0x10]  }
0x65: {  	v5 =	vmul.f32 v5, v11;
	v11 =	vld [tilespmem:s19+$0x20]  }
0x66: {  	v15 =	vld [tilespmem:s18+$0xFFFFFFD0];
	v6 =	vmul.f32 v6, v12  }
0x67: {  	v12 =	vld [tilespmem:s18+$0xFFFFFFE0];
	v7 =	vmul.f32 v7, v13  }
0x68: {  	v13 =	vld [tilespmem:s18+$0xFFFFFFF0];
	v8 =	vmul.f32 v8, v14  }
0x69: {  	v14 =	vld [tilespmem:s18+$0x0];
	v3 =	vmul.f32 v3, v10  }
0x6a: {  	v10 =	vld [tilespmem:s18+$0x10];
	v9 =	vmul.f32 v9, v11  }
0x6b: {  	v11 =	vld [tilespmem:s18+$0x20]  }
0x6c: {  	v16 =	vld [tilespmem:s18+$0xFFFFFFC0]  }
0x6d: {  	[tilespmem:v2+s14+$0x0] =	vst.idx.add.f32.msk $0xffff, v1;
	v1 =	vmov v4  }
0x6e: {  	[tilespmem:v15+s14+$0x0] =	vst.idx.add.f32.msk $0xffff, v5  }
.Ltmp1:
0x6f: {  	[tilespmem:v12+s14+$0x0] =	vst.idx.add.f32.msk $0xffff, v6;
	(pc) =	sbr.rel @p0 .LBB2_5-.Ltmp1, $4  }
0x70: {  	[tilespmem:v13+s14+$0x0] =	vst.idx.add.f32.msk $0xffff, v7  }
0x71: {  	[tilespmem:v14+s14+$0x0] =	vst.idx.add.f32.msk $0xffff, v8;
	v2 =	vmov v16  }
0x72: {  	[tilespmem:v10+s14+$0x0] =	vst.idx.add.f32.msk $0xffff, v3  }
0x73: {  	s21 =	sadd.s32 $0x80, s21;
	[tilespmem:v11+s14+$0x0] =	vst.idx.add.f32.msk $0xffff, v9  }
0x74: {  	_ =	sdelay $0x3  }
0x75: {  	[tilespmem:v2+s14+$0x0] =	vst.idx.add.f32.msk $0xffff, v1  }
.LBB2_7:
0x76: {  	s18 =	sshra.s32 s22, $0x2  }
0x77: {  	v1 =	vld [tilespmem:s18+$0x3780];
	_ =	sdelay $0x5  }
0x78: {  	v2 =	vld [tilespmem:s18+$0x2F80]  }
0x79: {  	v3 =	vld [tilespmem:s18+$0x3F80]  }
0x7a: {  	v1 =	vld.idx.msk [tilespmem:v1+s2+$0x0], $0xffff;
	_ =	sdelay $0x1  }
0x7b: {  	p0 =	sne.s32 s22, $0x100  }
.Ltmp2:
0x7c: {  	_ = 	snop;
	(pc) =	sbr.rel @p0 .LBB2_7-.Ltmp2, $3  }
0x7d: {  	_ = 	snop  }
0x7e: {  	v1 =	vmul.f32 v1, v3;
	_ =	sdelay $0x1  }
0x7f: {  	s22 =	sadd.s32 $0x40, s22;
	[tilespmem:v2+s14+$0x0] =	vst.idx.add.f32.msk $0xffff, v1  }
0x80: {  	s17 =	sadd.s32 $0x1, s17  }
0x81: {  	p0 =	sne.s32 s17, $0x5  }
.Ltmp3:
0x82: {  	_ = 	snop;
	(pc) =	sbr.rel @p0 .LBB2_4-.Ltmp3, $1  }
0x83: {  	_ =	sdelay $0x3  }
0x84: {  	s15 =	sadd.s32 $0x1, s15  }
0x85: {  	p0 =	sne.s32 s15, s9  }
.Ltmp4:
0x86: {  	_ = 	snop;
	(pc) =	sbr.rel @p0 .LBB2_1-.Ltmp4, $4  }
0x87: {  	[hbm4b:s8+s2] =	stream.linear.scatter [tilespmem:s14], [sflag:$0x1], $0x2800, $0x38;
	[tilespmem:$0x6800] =	vst v63  }
0x88: {  	_ =	swait.ge [sflag:s10], $0x2800  }
0x89: {  	[sflag:s10] =	ssyncset.done $0x0  }
0x8a: {  	[sflag:s10] =	ssyncadd.s32 $0xFFFFD800  }
0x8b: {  	_ =	sfence.sel $0x180000  }
0x8c: {  	[bflag:$0x0] =	sbarrier.arrive $0xFFFF  }
0x8d: {  	p0 =	sne.s32 s1, $0x0;
	_ =	strace $0x9000004D  }
0x8e: {  	s0 =	sadd.s32 @!p0 $0x100000, s0;
	[bflag:$0x2] =	sbarrier.arrive $0xFFFF  }
0x8f: {  	[sflag:s0] =	ssyncadd.tile.s32 @!p0 $0x1;
	_ =	shalt  }
.Lfunc_end2:
_tile_overlayer_lowered:
.L_overlay_start_2:
0x90: {  	(tag) =	ssettag $0x2  }
0x91: {  	s0 =	rddreg [dreg:$0x0];
	s2 =	stileid.u32  }
0x92: {  	s1 =	rddreg [dreg:$0x1];
	p0 =	sne.s32 s2, $0x0  }
0x93: {  	s3 =	rddreg [dreg:$0x2];
	[bflag:$0x3] =	sbarrier.arrive $0xFFFF;
	s2 =	simm.s32 @!p0 $0x1C01  }
0x94: {  	[timem:s3], [sflag:s2] =	dma.local @!p0 [hbm:s0], s1  }
0x95: {  	s0 =	simm.s32 @!p0 $0x1  }
0x96: {  	_ =	swait.ge @!p0 [sflag:s0], s1  }
0x97: {  	s1 =	ssub.s32 @!p0 $0x0, s1;
	[sflag:s0] =	ssyncset.done @!p0 $0x0  }
0x98: {  	[sflag:s0] =	ssyncadd.s32 @!p0 s1  }
0x99: {  	[bflag:$0x3] =	sbarrier.arrive $0xFFFF  }
0x9a: {  	_ =	shalt  }

// kernel: kernel.8.cloned.1.call-start
scs
__scs_entry_jumppad:
0x0: {  	(pc) =	sbr.rel $0x88, $3  }
0x1: {  	(tag) =	ssettag $0x0;
	lr =	simm.s32 $0x1  }
0x2: {  	[smem:$0x3F98] =	sst lr;
	_ =	strace $0xD0000000  }
0x3: {  	_ = 	snop  }
0x4: {  	_ = 	snop  }
0x5: {  	_ = 	snop  }
0x6: {  	_ = 	snop  }
0x7: {  	_ = 	snop  }
__scs_overlays_trampoline_lowered:
0x8: {  	[smem:$0x3FA7] =	sst s0  }
0x9: {  	[smem:$0x3FA8] =	sst s1  }
0xa: {  	[smem:$0x3FA9] =	sst s2  }
0xb: {  	[smem:$0x3FAA] =	sst s3  }
0xc: {  	[smem:$0x3FAB] =	sst s4  }
0xd: {  	[smem:$0x3FAC] =	sst s5  }
0xe: {  	[smem:$0x3FAD] =	sst s6  }
0xf: {  	[smem:$0x3FAE] =	sst s7  }
0x10: {  	[smem:$0x3FAF] =	sst s8  }
0x11: {  	[smem:$0x3FB0] =	sst s9;
	s0 =	simm.s32 @!p0 $0x0  }
0x12: {  	s1 =	sld [smem:$0x3F96];
	s0 =	simm.s32 @p0 $0x1  }
0x13: {  	[smem:$0x3FB1] =	sst s0;
	s0 =	simm.s32 @!p1 $0x0  }
0x14: {  	s2 =	sld [smem:$0x3F95];
	s0 =	simm.s32 @p1 $0x1  }
0x15: {  	[smem:$0x3FB2] =	sst s0;
	s0 =	simm.s32 @!p2 $0x0  }
0x16: {  	s3 =	sld [smem:$0x3FDB];
	s0 =	simm.s32 @p2 $0x1  }
0x17: {  	s4 =	simm.s32 $0x1BF5;
	[smem:$0x3FB4] =	sst s0  }
0x18: {  	s0 =	sld [smem:$0x3F97];
	_ =	swait.ge [sflag:s4], $0x0  }
0x19: {  	s7 =	sld [smem:$0x3F98]  }
0x1a: {  	s8 =	sadd.s32 $0xFFFFE003, lr  }
0x1b: {  	s9 =	sadd.s32 $0xFFFFFEF7, lr;
	s5 =	simm.s32 $0xFFFFFFFF;
	p2 =	slt.u32 s8, $0xFFFFF086  }
0x1c: {  	p1 =	slt.u32 s9, $0xF7A;
	s5 =	simm.s32 @!p2 $0x0  }
0x1d: {  	s5 =	simm.s32 @p1 $0x1;
	p0 =	seq.s32 s7, s2  }
0x1e: {  	s7 =	smul.u32 @!p0 $0xF7A, s2;
	p2 =	seq.s32 @!p0 s5, $0x0  }
0x1f: {  	s9 =	smul.u32 $0xF7A, s1;
	s8 =	simm.s32 @!p0 $0x1BF5;
	p2 =	por !p2, p0  }
0x20: {  	[sflag:s8] =	ssyncset.s32 @!p0 $0xFFFFF086;
	s6 =	sadd.s32 @!p0 s3, s7;
	s7 =	simm.s32 @!p0 $0x108  }
0x21: {  	s3 =	sadd.s32 s3, s9;
	s6 =	sadd.s32 @!p0 $0x88, s6;
	s7 =	simm.s32 @p2 $0x1082  }
0x22: {  	[simem:s7], [sflag:s8] =	dma.local @!p0 [hbm:s6], $0xF7A  }
0x23: {  	s9 =	sor.u32 $0xD0000000, s2;
	s6 =	simm.s32 $0x108;
	_ =	swait.ge @!p0 [sflag:s8], $0x0  }
0x24: {  	s3 =	sadd.s32 $0x88, s3;
	s6 =	simm.s32 @!p1 $0x1082;
	[sflag:s4] =	ssyncset.s32 $0xFFFFF086  }
0x25: {  	[simem:s6], [sflag:s4] =	dma.local [hbm:s3], $0xF7A  }
0x26: {  	[smem:$0x3F98] =	sst s1;
	(tag) =	ssettag s2;
	_ =	strace s9  }
0x27: {  	s1 =	sld [smem:$0x3FA8]  }
0x28: {  	s2 =	sld [smem:$0x3FA9]  }
0x29: {  	s4 =	sld [smem:$0x3FAB]  }
0x2a: {  	p0 =	seq.s32 s5, $0x0;
	s5 =	sld [smem:$0x3FAC]  }
0x2b: {  	s6 =	sld [smem:$0x3FAD]  }
0x2c: {  	s7 =	sld [smem:$0x3FAE]  }
0x2d: {  	s3 =	simm.s32 $0x108;
	s8 =	sld [smem:$0x3FAF]  }
0x2e: {  	s3 =	simm.s32 @!p0 $0x1082;
	s9 =	sld [smem:$0x3FB0]  }
0x2f: {  	lr =	sadd.s32 s0, s3;
	s0 =	sld [smem:$0x3FA7]  }
0x30: {  	s3 =	sld [smem:$0x3FAA]  }
0x31: {  	[smem:$0x3FB3] =	sst s10  }
0x32: {  	s10 =	sld [smem:$0x3FB1];
	_ =	sdelay $0x3  }
0x33: {  	p0 =	seq.s32 s10, $0x1;
	s10 =	sld [smem:$0x3FB3];
	_ =	sdelay $0x3  }
0x34: {  	[smem:$0x3FB3] =	sst s10  }
0x35: {  	s10 =	sld [smem:$0x3FB2];
	_ =	sdelay $0x3  }
0x36: {  	p1 =	seq.s32 s10, $0x1;
	s10 =	sld [smem:$0x3FB3];
	_ =	sdelay $0x3  }
0x37: {  	[smem:$0x3FB3] =	sst s10  }
0x38: {  	s10 =	sld [smem:$0x3FB4]  }
0x39: {  	_ = 	snop;
	(pc) =	sbr.ind lr, $3  }
0x3a: {  	_ = 	snop  }
0x3b: {  	_ = 	snop  }
0x3c: {  	p2 =	seq.s32 s10, $0x1;
	s10 =	sld [smem:$0x3FB3]  }
0x3d: {  	_ =	shalt  }
0x3e: {  	_ =	shalt  }
0x3f: {  	_ =	shalt  }
0x40: {  	_ =	shalt  }
0x41: {  	_ =	shalt  }
0x42: {  	_ =	shalt  }
0x43: {  	_ =	shalt  }
0x44: {  	_ =	shalt  }
0x45: {  	_ =	shalt  }
0x46: {  	_ =	shalt  }
0x47: {  	_ =	shalt  }
0x48: {  	_ =	shalt  }
0x49: {  	_ =	shalt  }
0x4a: {  	_ =	shalt  }
0x4b: {  	_ =	shalt  }
0x4c: {  	_ =	shalt  }
0x4d: {  	_ =	shalt  }
0x4e: {  	_ =	shalt  }
0x4f: {  	_ =	shalt  }
0x50: {  	_ =	shalt  }
0x51: {  	_ =	shalt  }
0x52: {  	_ =	shalt  }
0x53: {  	_ =	shalt  }
0x54: {  	_ =	shalt  }
0x55: {  	_ =	shalt  }
0x56: {  	_ =	shalt  }
0x57: {  	_ =	shalt  }
0x58: {  	_ =	shalt  }
0x59: {  	_ =	shalt  }
0x5a: {  	_ =	shalt  }
0x5b: {  	_ =	shalt  }
0x5c: {  	_ =	shalt  }
0x5d: {  	_ =	shalt  }
0x5e: {  	_ =	shalt  }
0x5f: {  	_ =	shalt  }
0x60: {  	_ =	shalt  }
0x61: {  	_ =	shalt  }
0x62: {  	_ =	shalt  }
0x63: {  	_ =	shalt  }
0x64: {  	_ =	shalt  }
0x65: {  	_ =	shalt  }
0x66: {  	_ =	shalt  }
0x67: {  	_ =	shalt  }
0x68: {  	_ =	shalt  }
0x69: {  	_ =	shalt  }
0x6a: {  	_ =	shalt  }
0x6b: {  	_ =	shalt  }
0x6c: {  	_ =	shalt  }
0x6d: {  	_ =	shalt  }
0x6e: {  	_ =	shalt  }
0x6f: {  	_ =	shalt  }
0x70: {  	_ =	shalt  }
0x71: {  	_ =	shalt  }
0x72: {  	_ =	shalt  }
0x73: {  	_ =	shalt  }
0x74: {  	_ =	shalt  }
0x75: {  	_ =	shalt  }
0x76: {  	_ =	shalt  }
0x77: {  	_ =	shalt  }
0x78: {  	_ =	shalt  }
0x79: {  	_ =	shalt  }
0x7a: {  	_ =	shalt  }
0x7b: {  	_ =	shalt  }
0x7c: {  	_ =	shalt  }
0x7d: {  	_ =	shalt  }
0x7e: {  	_ =	shalt  }
0x7f: {  	_ =	shalt  }
0x80: {  	_ =	shalt  }
0x81: {  	_ =	shalt  }
0x82: {  	_ =	shalt  }
0x83: {  	_ =	shalt  }
0x84: {  	_ =	shalt  }
0x85: {  	_ =	shalt  }
0x86: {  	_ =	shalt  }
0x87: {  	_ =	shalt  }
.Lfunc_end0:
.L_simem_size_0:
called_computation_lowered:
.L_overlay_start_0:
0x88: {  	s2 =	sld [smem:$0x3FD9]  }
0x89: {  	s3 =	sld [smem:$0x3FFE];
	_ =	sdelay $0x1  }
0x8a: {  	s1 =	srdreg.scid  }
0x8b: {  	s0 =	sand.u32 $0x1, s1  }
0x8c: {  	s16 =	sshll.u32 s0, $0xA;
	s2 =	sadd.s32 s3, s2  }
0x8d: {  	s2 =	sadd.s32 s2, s16  }
0x8e: {  	[smem:$0x3FBF] =	sst s2  }
0x8f: {  	_ = 	snop  }
0x90: {  	(tm) =	ssettm $0x1  }
0x91: {  	s17 =	sld [smem:$0x3FFB];
	_ =	sdelay $0x3  }
0x92: {  	_ =	strace s17  }
0x93: {  	s2 =	sld [smem:$0x3FFC];
	_ =	sdelay $0x3  }
0x94: {  	_ =	strace s2  }
0x95: {  	s2 =	sld [smem:$0x3FFD];
	_ =	sdelay $0x3  }
0x96: {  	_ =	strace s2  }
0x97: {  	_ =	strace $0x8FFFFFFF  }
0x98: {  	s18 =	sld [smem:$0x3FDB];
	_ =	sdelay $0x1  }
0x99: {  	s19 =	simm.s32 $_scs_section_size  }
0x9a: {  	s4 =	simm.s32 $_size__tile_overlayer_lowered;
	s5 =	simm.s32 $_tile_overlayer_lowered  }
0x9b: {  	s22 =	simm.s32 $0x1BFF;
	s21 =	sshll.u32 s5, $0x1;
	s2 =	sadd.s32 s19, s18  }
0x9c: {  	s6 =	simm.s32 $0x0;
	s20 =	sshll.u32 s4, $0x1;
	s4 =	sadd.s32 s21, s2  }
0x9d: {  	[timem:s6], [sflag:s22] =	dma.local [hbm:s4], s20  }
0x9e: {  	_ =	swait.ge [sflag:s22], s20  }
0x9f: {  	s3 =	ssub.s32 $0x0, s20;
	[sflag:s22] =	ssyncset.done $0x0  }
0xa0: {  	[sflag:s22] =	ssyncadd.s32 s3;
	_ =	sdelay $0x1  }
0xa1: {  	s23 =	simm.s32 $0x1B8B  }
0xa2: {  	_ =	swait.ge [sflag:s23], $0x1  }
0xa3: {  	[sflag:s23] =	ssyncset.done $0x0  }
0xa4: {  	s25 =	simm.s32 $0x1B8E;
	s24 =	sld [smem:$0x3FFE];
	[sflag:s23] =	ssyncadd.s32 $0xFFFFFFFF  }
0xa5: {  	s26 =	simm.s32 $execute0_lowered;
	[smem:$0x3FD2] =	sst s25  }
0xa6: {  	s4 =	sshll.u32 s26, $0x1;
	_ =	strace $0x80000046;
	[dreg:$0x1] =	wrdreg $0xFFFFFFFF  }
0xa7: {  	s28 =	simm.s32 $_size_execute0_lowered;
	s2 =	sadd.s32 s2, s4;
	[dreg:$0x0] =	wrdreg $0x0  }
0xa8: {  	s4 =	sshll.u32 s28, $0x1;
	[dreg:$0x2] =	wrdreg s2  }
0xa9: {  	[dreg:$0x3] =	wrdreg s4  }
0xaa: {  	[dreg:$0x4] =	wrdreg $0xC0  }
0xab: {  	_ =	task [dreg:s6], $0x5FFFF  }
0xac: {  	[dreg:$0x1] =	wrdreg $0xFFFFFFFF  }
0xad: {  	[dreg:$0x0] =	wrdreg $0x60  }
0xae: {  	[dreg:$0x2] =	wrdreg s24  }
0xaf: {  	[dreg:$0x3] =	wrdreg $0x9  }
0xb0: {  	_ =	task.clear_ibuf [dreg:s6], $0x4FFFF;
	_ =	strace $0x90000046  }
0xb1: {  	s29 =	simm.s32 $0x9;
	_ =	strace $0x80000048  }
0xb2: {  	_ =	swait.ge [sflag:s29], $0x1  }
0xb3: {  	[sflag:s29] =	ssyncadd.s32 $0xFFFFFFFF  }
0xb4: {  	_ =	strace $0x90000048  }
0xb5: {  	_ =	sfence  }
0xb6: {  	s30 =	sld [smem:$0x0];
	_ =	sdelay $0x2  }
0xb7: {  	s31 =	sshll.u32 s1, $0xD;
	s1 =	sshrl.u32 s1, $0x2  }
0xb8: {  	s3 =	sand.u32 $0x4000, s31;
	s1 =	sadd.s32 s1, s30  }
0xb9: {  	s0 =	sor.u32 s3, s0;
	s1 =	sshll.u32 s1, $0x11  }
0xba: {  	s0 =	sor.u32 s1, s0  }
0xbb: {  	s0 =	sadd.s32 $0x8F2B, s0  }
0xbc: {  	[sflag:s0] =	ssyncadd.remote.s32 $0x1  }
0xbd: {  	_ =	sfence.sel $0xFFFF  }
0xbe: {  	[dreg:$0x0] =	wrdreg $0xFFFFFFFF;
	(pc) =	sbr.abs _section_cstart, $3  }
0xbf: {  	[dreg:$0x1] =	wrdreg $0xFFFFFFFF  }
0xc0: {  	_ =	task.clear_ibuf [dreg:s6], $0x2FFFF;
	_ =	strace $0x9FFFFFFF  }
0xc1: {  	(tm) =	ssettm $0x7FFFFFFF  }
tec
execute0_lowered:
.L_overlay_start_1:
0x0: {  	(tag) =	ssettag $0x1  }
0x1: {  	s0 =	rddreg [dreg:$0x0];
	s1 =	simm.s32 $0x0  }
0x2: {  	s2 =	srdreg.scid;
	s6 =	stileid.u32;
	s14 =	simm.s32 $0x1  }
0x3: {  	s15 =	simm.s32 $0x800;
	s16 =	simm.s32 $0x1000;
	s17 =	simm.s32 $0x1800  }
0x4: {  	s18 =	simm.s32 $0x2000;
	s19 =	simm.s32 $0x2800;
	s20 =	simm.s32 $0x3800  }
0x5: {  	s21 =	simm.s32 $0x6000;
	[smem:$0x7FF] =	sst s1;
	s3 =	sadd.s32 $0x1E400, s0  }
0x6: {  	s4 =	sadd.s32 $0x14600, s0;
	s2 =	sand.u32 $0x1, s2;
	s8 =	sshll.u32 s6, $0x1  }
0x7: {  	s5 =	sadd.s32 $0xA800, s0;
	s6 =	sadd.s32 $0xA00, s0;
	s10 =	sor.u32 s2, s8  }
0x8: {  	s7 =	sadd.s32 $0x32000, s0;
	s9 =	sadd.s32 $0x4FE00, s0;
	s11 =	smul.u32 $0x2800, s10  }
0x9: {  	_ =	strace $0x80000047;
	s2 =	ssub.s32 $0x2, s2;
	s13 =	smul.u32 $0x500, s10  }
0xa: {  	s8 =	sadd.s32 $0x28200, s0;
	s0 =	sadd.s32 $0x3BE00, s0;
	s12 =	sshrl.u32 s2, $0x1  }
0xb: {  	s2 =	ssub.s32 s2, s12;
	s11 =	sshrl.u32 s11, $0x3;
	s30 =	sadd.s32 s0, s13  }
0xc: {  	s31 =	smax.u32 s2, $0x1;
	[dreg:$0x2] =	wrdreg s30;
	s0 =	sadd.s32 s0, s11  }
0xd: {  	s22 =	simm.s32 $0x3000;
	[dreg:$0x4] =	wrdreg s31;
	s0 =	sadd.s32 $0xA000, s0  }
0xe: {  	v0 =	vimm.f32 $0.0e+00;
	s23 =	simm.s32 $0x0;
	s10 =	smul.u32 $0x2710, s10;
	[dreg:$0x3] =	wrdreg s0  }
.LBB2_1:
0xf: {  	s0 =	simm.s32 $0x40;
	s2 =	simm.s32 $0x0  }
.LBB2_2:
0x10: {  	p0 =	sne.s32 s0, $0x9FC0;
	[tilespmem:s2+$0x3800] =	vst v0;
	s2 =	smov.u32 s0;
	s0 =	sadd.s32 $0x40, s0  }
.Ltmp0:
0x11: {  	(pc) =	sbr.rel @p0 .LBB2_2-.Ltmp0, $2  }
0x12: {  	_ =	sdelay $0x2  }
0x13: {  	s2 =	sshra.s32 s2, $0x2  }
0x14: {  	[tilespmem:s2+$0x3800] =	vst v0;
	s24 =	simm.s32 $0x0;
	s0 =	simm.s32 $0x40;
	s2 =	simm.s32 $0x0  }
.LBB2_4:
0x15: {  	p0 =	sne.s32 s0, $0x9FC0;
	[tilespmem:s2+$0x6000] =	vst v0;
	s2 =	smov.u32 s0;
	s0 =	sadd.s32 $0x40, s0  }
.Ltmp1:
0x16: {  	(pc) =	sbr.rel @p0 .LBB2_4-.Ltmp1, $2  }
0x17: {  	_ =	sdelay $0x2  }
0x18: {  	s2 =	sshra.s32 s2, $0x2  }
0x19: {  	[tilespmem:s2+$0x6000] =	vst v0  }
.LBB2_6:
0x1a: {  	s0 =	smul.u32 $0x7D0, s24;
	_ =	sdelay $0x1  }
0x1b: {  	s0 =	sadd.s32 s10, s0  }
0x1c: {  	s25 =	sshrl.u32 s0, $0x3  }
0x1d: {  	s0 =	sadd.s32 s3, s25  }
0x1e: {  	[tilespmem:s1], [sflag:$0x1] =	stream.linear.gather [hbm4b:s0+s1], $0x7D0, $0x38;
	[tilespmem:$0x8800] =	vst v63  }
0x1f: {  	_ =	swait.ge [sflag:s14], $0x7D0  }
0x20: {  	[sflag:s14] =	ssyncset.done $0x0  }
0x21: {  	s13 =	sadd.s32 s4, s25;
	[sflag:s14] =	ssyncadd.s32 $0xFFFFF830  }
0x22: {  	[tilespmem:s15], [sflag:$0x1] =	stream.linear.gather [hbm4b:s13+s1], $0x7D0, $0x38;
	[tilespmem:$0x8800] =	vst v63  }
0x23: {  	_ =	swait.ge [sflag:s14], $0x7D0  }
0x24: {  	[sflag:s14] =	ssyncset.done $0x0  }
0x25: {  	s26 =	sadd.s32 s5, s25;
	[sflag:s14] =	ssyncadd.s32 $0xFFFFF830  }
0x26: {  	[tilespmem:s16], [sflag:$0x1] =	stream.linear.gather [hbm4b:s26+s1], $0x7D0, $0x38;
	[tilespmem:$0x8800] =	vst v63  }
0x27: {  	_ =	swait.ge [sflag:s14], $0x7D0  }
0x28: {  	[sflag:s14] =	ssyncset.done $0x0  }
0x29: {  	s2 =	sadd.s32 s6, s25;
	[sflag:s14] =	ssyncadd.s32 $0xFFFFF830  }
0x2a: {  	[tilespmem:s17], [sflag:$0x1] =	stream.linear.gather [hbm4b:s2+s1], $0x7D0, $0x38;
	[tilespmem:$0x8800] =	vst v63  }
0x2b: {  	_ =	swait.ge [sflag:s14], $0x7D0  }
0x2c: {  	[sflag:s14] =	ssyncset.done $0x0  }
0x2d: {  	s11 =	sadd.s32 s7, s25;
	[sflag:s14] =	ssyncadd.s32 $0xFFFFF830  }
0x2e: {  	[tilespmem:s18], [sflag:$0x1] =	stream.linear.gather [hbm4b:s11+s1], $0x7D0, $0x38;
	[tilespmem:$0x8800] =	vst v63  }
0x2f: {  	_ =	swait.ge [sflag:s14], $0x7D0  }
0x30: {  	[sflag:s14] =	ssyncset.done $0x0  }
0x31: {  	s12 =	sadd.s32 s8, s25;
	[sflag:s14] =	ssyncadd.s32 $0xFFFFF830  }
0x32: {  	[tilespmem:s19], [sflag:$0x1] =	stream.linear.gather [hbm4b:s12+s1], $0x7D0, $0x38;
	[tilespmem:$0x8800] =	vst v63  }
0x33: {  	_ =	swait.ge [sflag:s14], $0x7D0  }
0x34: {  	[sflag:s14] =	ssyncset.done $0x0  }
0x35: {  	s13 =	simm.s32 $0x40;
	[sflag:s14] =	ssyncadd.s32 $0xFFFFF830  }
0x36: {  	s26 =	simm.s32 $0x840;
	v1 =	vld [tilespmem:s13+$0x30]  }
0x37: {  	v2 =	vld [tilespmem:s26+$0x30]  }
0x38: {  	s28 =	simm.s32 $0x1040;
	v3 =	vld [tilespmem:s26+$0xFFFFFFC0]  }
0x39: {  	v4 =	vld [tilespmem:s28+$0x30]  }
0x3a: {  	s29 =	simm.s32 $0x1840;
	v5 =	vld [tilespmem:s13+$0xFFFFFFD0]  }
0x3b: {  	v6 =	vld [tilespmem:s29+$0x30]  }
0x3c: {  	v7 =	vld [tilespmem:s26+$0xFFFFFFD0]  }
0x3d: {  	v8 =	vld [tilespmem:s13+$0xFFFFFFE0]  }
0x3e: {  	v9 =	vld [tilespmem:s26+$0xFFFFFFE0]  }
0x3f: {  	v10 =	vld [tilespmem:s13+$0xFFFFFFF0]  }
0x40: {  	v11 =	vld [tilespmem:s26+$0xFFFFFFF0]  }
0x41: {  	v12 =	vld [tilespmem:s13+$0x0]  }
0x42: {  	v13 =	vld [tilespmem:s26+$0x0]  }
0x43: {  	v14 =	vld [tilespmem:s13+$0x10];
	v1 =	vmul.f32 v1, v1;
	v2 =	vmul.f32 v2, v2  }
0x44: {  	v15 =	vld [tilespmem:s26+$0x10]  }
0x45: {  	v16 =	vld [tilespmem:s26+$0x20];
	v1 =	vadd.f32 v2, v1;
	v2 =	vmul.f32 v4, v4  }
0x46: {  	v17 =	vld [tilespmem:s28+$0xFFFFFFC0]  }
0x47: {  	v18 =	vld [tilespmem:s28+$0xFFFFFFE0];
	v1 =	vadd.f32 v2, v1;
	v2 =	vmul.f32 v6, v6  }
0x48: {  	v19 =	vld [tilespmem:s28+$0xFFFFFFF0];
	v3 =	vmul.f32 v3, v3  }
0x49: {  	v5 =	vmul.f32 v5, v5;
	v7 =	vmul.f32 v7, v7;
	v6 =	vld [tilespmem:s13+$0xFFFFFFC0];
	v1 =	vadd.f32 v2, v1  }
0x4a: {  	v8 =	vmul.f32 v8, v8;
	v9 =	vmul.f32 v9, v9;
	v4 =	vld [tilespmem:s13+$0x20]  }
0x4b: {  	v10 =	vmul.f32 v10, v10;
	v2 =	vld [tilespmem:s28+$0xFFFFFFD0];
	v1 =	vmul.f32 $-1.562500000e-02, v1  }
0x4c: {  	v5 =	vadd.f32 v7, v5;
	v7 =	vmul.f32 v11, v11;
	v11 =	vmul.f32 v12, v12;
	v12 =	vld [tilespmem:s28+$0x0]  }
0x4d: {  	v8 =	vadd.f32 v9, v8;
	v9 =	vmul.f32 v13, v13;
	v13 =	vld [tilespmem:s29+$0xFFFFFFC0];
	v1 =	vmul.f32 $1.442695020e+00, v1  }
0x4e: {  	v7 =	vadd.f32 v7, v10;
	v10 =	vmul.f32 v14, v14;
	v14 =	vld [tilespmem:s28+$0x10];
	v6 =	vmul.f32 v6, v6  }
0x4f: {  	(erf) = vpow2.f32 v1;
	v1 =	vadd.f32 v9, v11;
	v9 =	vmul.f32 v15, v15;
	v11 =	vld [tilespmem:s29+$0xFFFFFFD0]  }
0x50: {  	v3 =	vadd.f32 v3, v6;
	v6 =	vld [tilespmem:s29+$0xFFFFFFE0];
	v2 =	vmul.f32 v2, v2;
	v15 =	vmul.f32 v17, v17  }
0x51: {  	v17 =	vmul.f32 v18, v18;
	v9 =	vadd.f32 v9, v10;
	v10 =	vmul.f32 v16, v16;
	v16 =	vld [tilespmem:s28+$0x20]  }
0x52: {  	v4 =	vmul.f32 v4, v4;
	v13 =	vmul.f32 v13, v13;
	v3 =	vadd.f32 v15, v3;
	v15 =	vld [tilespmem:s29+$0xFFFFFFF0]  }
0x53: {  	v2 =	vadd.f32 v2, v5;
	v5 =	vmul.f32 v19, v19;
	v8 =	vadd.f32 v17, v8  }
0x54: {  	v4 =	vadd.f32 v10, v4;
	v3 =	vadd.f32 v13, v3;
	v10 =	vmul.f32 v11, v11;
	v11 =	vld [tilespmem:s29+$0x0]  }
0x55: {  	v12 =	vmul.f32 v12, v12;
	v5 =	vadd.f32 v5, v7;
	v6 =	vmul.f32 v6, v6  }
0x56: {  	v7 =	vmul.f32 v14, v14;
	v13 =	vld [tilespmem:s29+$0x10];
	v3 =	vmul.f32 $-1.562500000e-02, v3;
	v2 =	vadd.f32 v10, v2  }
0x57: {  	v6 =	vadd.f32 v6, v8;
	v10 =	vmul.f32 v16, v16;
	v14 =	vmul.f32 v15, v15  }
0x58: {  	s30 =	simm.s32 $0x3040;
	v1 =	vadd.f32 v12, v1;
	v12 =	vld [tilespmem:s29+$0x20];
	v3 =	vmul.f32 $1.442695020e+00, v3;
	v8 =	vpop (erf);
	v2 =	vmul.f32 $-1.562500000e-02, v2  }
0x59: {  	s31 =	simm.s32 $0x2040;
	v6 =	vmul.f32 $-1.562500000e-02, v6;
	v5 =	vadd.f32 v14, v5;
	[tilespmem:s30+$0x30] =	vst v8;
	v11 =	vmul.f32 v11, v11  }
0x5a: {  	s0 =	simm.s32 $0x2840;
	v7 =	vadd.f32 v7, v9;
	(erf) = vpow2.f32 v3;
	v14 =	vld [tilespmem:s31+$0x30];
	v2 =	vmul.f32 $1.442695020e+00, v2  }
0x5b: {  	v4 =	vadd.f32 v10, v4;
	v9 =	vmul.f32 v13, v13;
	v3 =	vld [tilespmem:s0+$0x30];
	v5 =	vmul.f32 $-1.562500000e-02, v5  }
0x5c: {  	v6 =	vmul.f32 $1.442695020e+00, v6;
	v1 =	vadd.f32 v11, v1;
	(erf) = vpow2.f32 v2  }
0x5d: {  	v7 =	vadd.f32 v9, v7;
	v2 =	vmul.f32 v12, v12;
	v5 =	vmul.f32 $1.442695020e+00, v5  }
0x5e: {  	v1 =	vmul.f32 $-1.562500000e-02, v1;
	(erf) = vpow2.f32 v6  }
0x5f: {  	v2 =	vadd.f32 v2, v4;
	v4 =	vmul.f32 $-1.562500000e-02, v7  }
0x60: {  	(erf) = vpow2.f32 v5;
	v1 =	vmul.f32 $1.442695020e+00, v1  }
0x61: {  	v2 =	vmul.f32 $-1.562500000e-02, v2  }
0x62: {  	v4 =	vmul.f32 $1.442695020e+00, v4;
	(erf) = vpow2.f32 v1;
	[tilespmem:v14+s20+$0x0] =	vst.idx.add.f32.msk $0xffff, v8  }
0x63: {  	v7 =	vpop (erf);
	[tilespmem:v3+s21+$0x0] =	vst.idx.add.f32.msk $0xffff, v8  }
0x64: {  	v1 =	vmul.f32 $1.442695020e+00, v2;
	(erf) = vpow2.f32 v4;
	[tilespmem:s30+$0xFFFFFFC0] =	vst v7  }
0x65: {  	v19 =	vld [tilespmem:s31+$0xFFFFFFC0];
	v6 =	vpop (erf)  }
0x66: {  	v20 =	vld [tilespmem:s0+$0xFFFFFFC0];
	(erf) = vpow2.f32 v1;
	[tilespmem:s30+$0xFFFFFFD0] =	vst v6  }
0x67: {  	v5 =	vpop (erf);
	v8 =	vld [tilespmem:s31+$0xFFFFFFD0]  }
0x68: {  	[tilespmem:s30+$0xFFFFFFE0] =	vst v5;
	v9 =	vld [tilespmem:s0+$0xFFFFFFD0]  }
0x69: {  	v1 =	vpop (erf);
	v10 =	vld [tilespmem:s31+$0xFFFFFFE0]  }
0x6a: {  	[tilespmem:s30+$0xFFFFFFF0] =	vst v1;
	v11 =	vld [tilespmem:s0+$0xFFFFFFE0]  }
0x6b: {  	v12 =	vld [tilespmem:s31+$0xFFFFFFF0];
	v2 =	vpop (erf)  }
0x6c: {  	v13 =	vld [tilespmem:s0+$0xFFFFFFF0];
	[tilespmem:s30+$0x0] =	vst v2  }
0x6d: {  	v3 =	vpop (erf);
	v14 =	vld [tilespmem:s31+$0x0]  }
0x6e: {  	[tilespmem:s30+$0x10] =	vst v3;
	v15 =	vld [tilespmem:s0+$0x0]  }
0x6f: {  	v16 =	vld [tilespmem:s31+$0x10];
	v4 =	vpop (erf)  }
0x70: {  	s2 =	simm.s32 $0x1E00;
	v17 =	vld [tilespmem:s0+$0x10];
	[tilespmem:s30+$0x20] =	vst v4  }
0x71: {  	s11 =	simm.s32 $0x0;
	s12 =	simm.s32 $0xC0;
	s13 =	simm.s32 $0x2840;
	v18 =	vld [tilespmem:s31+$0x20]  }
.LBB2_7:
0x72: {  	v21 =	vld [tilespmem:s12+$0x30];
	s26 =	sadd.s32 $0x80, s26  }
0x73: {  	v22 =	vld [tilespmem:s26+$0x30]  }
0x74: {  	s11 =	sadd.s32 $0x8, s11;
	s28 =	sadd.s32 $0x80, s28;
	v23 =	vld [tilespmem:s26+$0xFFFFFFC0]  }
0x75: {  	p0 =	slt.u32 s11, $0x70;
	v24 =	vld [tilespmem:s28+$0x30]  }
0x76: {  	s29 =	sadd.s32 $0x80, s29;
	v25 =	vld [tilespmem:s12+$0xFFFFFFD0]  }
0x77: {  	v26 =	vld [tilespmem:s29+$0x30]  }
0x78: {  	v21 =	vmul.f32 v21, v21;
	v27 =	vld [tilespmem:s26+$0xFFFFFFD0];
	v22 =	vmul.f32 v22, v22  }
0x79: {  	v23 =	vmul.f32 v23, v23;
	v28 =	vld [tilespmem:s12+$0xFFFFFFE0]  }
0x7a: {  	v29 =	vld [tilespmem:s26+$0xFFFFFFE0];
	v21 =	vadd.f32 v22, v21;
	v22 =	vmul.f32 v24, v24  }
0x7b: {  	v24 =	vmul.f32 v25, v25;
	v25 =	vld [tilespmem:s12+$0xFFFFFFF0]  }
0x7c: {  	v30 =	vld [tilespmem:s26+$0xFFFFFFF0];
	v21 =	vadd.f32 v22, v21;
	v22 =	vmul.f32 v26, v26  }
0x7d: {  	v26 =	vmul.f32 v27, v27;
	v27 =	vld [tilespmem:s12+$0x0]  }
0x7e: {  	v28 =	vmul.f32 v28, v28;
	v31 =	vld [tilespmem:s26+$0x0];
	v21 =	vadd.f32 v22, v21  }
0x7f: {  	v22 =	vadd.f32 v26, v24;
	v24 =	vmul.f32 v29, v29;
	v26 =	vld [tilespmem:s12+$0x10]  }
0x80: {  	v25 =	vmul.f32 v25, v25;
	v29 =	vld [tilespmem:s26+$0x10];
	v21 =	vmul.f32 $-1.562500000e-02, v21  }
0x81: {  	v24 =	vadd.f32 v24, v28;
	v28 =	vmul.f32 v30, v30;
	v30 =	vld [tilespmem:s12+$0x20]  }
0x82: {  	v27 =	vmul.f32 v27, v27;
	v32 =	vld [tilespmem:s26+$0x20];
	v21 =	vmul.f32 $1.442695020e+00, v21  }
0x83: {  	v33 =	vld [tilespmem:s12+$0xFFFFFFC0];
	v25 =	vadd.f32 v28, v25;
	v28 =	vmul.f32 v31, v31  }
0x84: {  	v31 =	vld [tilespmem:s28+$0xFFFFFFC0];
	v26 =	vmul.f32 v26, v26;
	(erf) = vpow2.f32 v21  }
0x85: {  	v21 =	vld [tilespmem:s28+$0xFFFFFFD0];
	v27 =	vadd.f32 v28, v27;
	v28 =	vmul.f32 v29, v29  }
0x86: {  	v29 =	vld [tilespmem:s28+$0xFFFFFFE0];
	v30 =	vmul.f32 v30, v30  }
0x87: {  	v34 =	vld [tilespmem:s28+$0xFFFFFFF0];
	v26 =	vadd.f32 v28, v26;
	v28 =	vmul.f32 v32, v32  }
0x88: {  	v32 =	vmul.f32 v33, v33;
	v33 =	vld [tilespmem:s28+$0x0]  }
0x89: {  	v31 =	vmul.f32 v31, v31;
	v35 =	vld [tilespmem:s28+$0x10];
	v28 =	vadd.f32 v28, v30  }
0x8a: {  	v23 =	vadd.f32 v23, v32;
	v21 =	vmul.f32 v21, v21;
	v30 =	vld [tilespmem:s28+$0x20]  }
0x8b: {  	v32 =	vld [tilespmem:s29+$0xFFFFFFC0];
	v29 =	vmul.f32 v29, v29  }
0x8c: {  	v23 =	vadd.f32 v31, v23;
	v31 =	vld [tilespmem:s29+$0xFFFFFFD0];
	v21 =	vadd.f32 v21, v22;
	v22 =	vmul.f32 v34, v34  }
0x8d: {  	s30 =	sadd.s32 $0x80, s30;
	v34 =	vld [tilespmem:s29+$0xFFFFFFE0];
	v24 =	vadd.f32 v29, v24;
	v29 =	vmul.f32 v33, v33;
	v33 =	vpop (erf)  }
0x8e: {  	s31 =	sadd.s32 $0x80, s31;
	v36 =	vld [tilespmem:s29+$0xFFFFFFF0];
	v22 =	vadd.f32 v22, v25;
	v25 =	vmul.f32 v35, v35;
	[tilespmem:s30+$0x30] =	vst v33  }
0x8f: {  	s0 =	sadd.s32 $0x80, s0;
	v27 =	vadd.f32 v29, v27;
	v29 =	vmul.f32 v30, v30;
	v30 =	vld [tilespmem:s31+$0x30]  }
0x90: {  	v32 =	vmul.f32 v32, v32;
	v25 =	vadd.f32 v25, v26;
	v26 =	vld [tilespmem:s0+$0x30]  }
0x91: {  	v31 =	vmul.f32 v31, v31;
	v35 =	vld [tilespmem:s29+$0x0];
	v28 =	vadd.f32 v29, v28  }
0x92: {  	v23 =	vadd.f32 v32, v23;
	v29 =	vmul.f32 v34, v34;
	v32 =	vld [tilespmem:s29+$0x10]  }
0x93: {  	v21 =	vadd.f32 v31, v21;
	v31 =	vmul.f32 v36, v36;
	v34 =	vld [tilespmem:s29+$0x20]  }
0x94: {  	v23 =	vmul.f32 $-1.562500000e-02, v23;
	v24 =	vadd.f32 v29, v24;
	v29 =	vld [tilespmem:s13+$0x20];
	s13 =	smov.u32 s0  }
0x95: {  	v21 =	vmul.f32 $-1.562500000e-02, v21;
	v22 =	vadd.f32 v31, v22;
	[tilespmem:v19+s20+$0x0] =	vst.idx.add.f32.msk $0xffff, v7  }
0x96: {  	v19 =	vmul.f32 $-1.562500000e-02, v24;
	v24 =	vmul.f32 v35, v35;
	[tilespmem:v20+s21+$0x0] =	vst.idx.add.f32.msk $0xffff, v7  }
0x97: {  	v7 =	vmul.f32 $-1.562500000e-02, v22;
	v20 =	vmul.f32 v32, v32;
	[tilespmem:v30+s20+$0x0] =	vst.idx.add.f32.msk $0xffff, v33  }
0x98: {  	v22 =	vmul.f32 $1.442695020e+00, v23;
	v23 =	vadd.f32 v24, v27;
	v24 =	vmul.f32 v34, v34;
	[tilespmem:v26+s21+$0x0] =	vst.idx.add.f32.msk $0xffff, v33  }
0x99: {  	v21 =	vmul.f32 $1.442695020e+00, v21;
	v19 =	vmul.f32 $1.442695020e+00, v19;
	v20 =	vadd.f32 v20, v25;
	[tilespmem:v8+s20+$0x0] =	vst.idx.add.f32.msk $0xffff, v6  }
0x9a: {  	v7 =	vmul.f32 $1.442695020e+00, v7;
	v8 =	vmul.f32 $-1.562500000e-02, v23;
	v23 =	vadd.f32 v24, v28;
	[tilespmem:v9+s21+$0x0] =	vst.idx.add.f32.msk $0xffff, v6  }
0x9b: {  	v6 =	vmul.f32 $-1.562500000e-02, v20;
	(erf) = vpow2.f32 v22;
	[tilespmem:v10+s20+$0x0] =	vst.idx.add.f32.msk $0xffff, v5  }
0x9c: {  	v8 =	vmul.f32 $1.442695020e+00, v8;
	v9 =	vmul.f32 $-1.562500000e-02, v23;
	[tilespmem:v11+s21+$0x0] =	vst.idx.add.f32.msk $0xffff, v5  }
0x9d: {  	v5 =	vmul.f32 $1.442695020e+00, v6;
	(erf) = vpow2.f32 v21;
	[tilespmem:v12+s20+$0x0] =	vst.idx.add.f32.msk $0xffff, v1  }
0x9e: {  	v6 =	vmul.f32 $1.442695020e+00, v9;
	(erf) = vpow2.f32 v19;
	[tilespmem:v13+s21+$0x0] =	vst.idx.add.f32.msk $0xffff, v1  }
0x9f: {  	(erf) = vpow2.f32 v7;
	[tilespmem:v14+s20+$0x0] =	vst.idx.add.f32.msk $0xffff, v2  }
0xa0: {  	(erf) = vpow2.f32 v8;
	[tilespmem:v15+s21+$0x0] =	vst.idx.add.f32.msk $0xffff, v2  }
0xa1: {  	(erf) = vpow2.f32 v5;
	[tilespmem:v16+s20+$0x0] =	vst.idx.add.f32.msk $0xffff, v3  }
0xa2: {  	(erf) = vpow2.f32 v6;
	[tilespmem:v17+s21+$0x0] =	vst.idx.add.f32.msk $0xffff, v3  }
0xa3: {  	[tilespmem:v18+s20+$0x0] =	vst.idx.add.f32.msk $0xffff, v4  }
0xa4: {  	v7 =	vpop (erf);
	[tilespmem:v29+s21+$0x0] =	vst.idx.add.f32.msk $0xffff, v4  }
0xa5: {  	[tilespmem:s30+$0xFFFFFFC0] =	vst v7  }
0xa6: {  	v19 =	vld [tilespmem:s31+$0xFFFFFFC0];
	v6 =	vpop (erf)  }
0xa7: {  	v20 =	vld [tilespmem:s0+$0xFFFFFFC0];
	[tilespmem:s30+$0xFFFFFFD0] =	vst v6;
	v5 =	vpop (erf)  }
0xa8: {  	v8 =	vld [tilespmem:s31+$0xFFFFFFD0];
	[tilespmem:s30+$0xFFFFFFE0] =	vst v5;
	v1 =	vpop (erf)  }
0xa9: {  	v9 =	vld [tilespmem:s0+$0xFFFFFFD0];
	[tilespmem:s30+$0xFFFFFFF0] =	vst v1;
	v2 =	vpop (erf)  }
0xaa: {  	v10 =	vld [tilespmem:s31+$0xFFFFFFE0];
	[tilespmem:s30+$0x0] =	vst v2;
	v3 =	vpop (erf)  }
0xab: {  	v11 =	vld [tilespmem:s0+$0xFFFFFFE0];
	[tilespmem:s30+$0x10] =	vst v3;
	v4 =	vpop (erf)  }
0xac: {  	v12 =	vld [tilespmem:s31+$0xFFFFFFF0];
	[tilespmem:s30+$0x20] =	vst v4  }
0xad: {  	v13 =	vld [tilespmem:s0+$0xFFFFFFF0]  }
.Ltmp2:
0xae: {  	v14 =	vld [tilespmem:s31+$0x0];
	(pc) =	sbr.rel @p0 .LBB2_7-.Ltmp2, $4  }
0xaf: {  	v15 =	vld [tilespmem:s0+$0x0]  }
0xb0: {  	v16 =	vld [tilespmem:s31+$0x10]  }
0xb1: {  	v17 =	vld [tilespmem:s0+$0x10]  }
0xb2: {  	s12 =	sadd.s32 $0x80, s12;
	v18 =	vld [tilespmem:s31+$0x20]  }
0xb3: {  	_ =	sdelay $0x2  }
0xb4: {  	v21 =	vld [tilespmem:s13+$0x20]  }
0xb5: {  	[tilespmem:v19+s20+$0x0] =	vst.idx.add.f32.msk $0xffff, v7  }
0xb6: {  	[tilespmem:v8+s20+$0x0] =	vst.idx.add.f32.msk $0xffff, v6  }
0xb7: {  	[tilespmem:v10+s20+$0x0] =	vst.idx.add.f32.msk $0xffff, v5  }
0xb8: {  	[tilespmem:v12+s20+$0x0] =	vst.idx.add.f32.msk $0xffff, v1  }
0xb9: {  	[tilespmem:v14+s20+$0x0] =	vst.idx.add.f32.msk $0xffff, v2  }
0xba: {  	[tilespmem:v20+s21+$0x0] =	vst.idx.add.f32.msk $0xffff, v7  }
0xbb: {  	[tilespmem:v9+s21+$0x0] =	vst.idx.add.f32.msk $0xffff, v6  }
0xbc: {  	[tilespmem:v11+s21+$0x0] =	vst.idx.add.f32.msk $0xffff, v5  }
0xbd: {  	[tilespmem:v13+s21+$0x0] =	vst.idx.add.f32.msk $0xffff, v1  }
0xbe: {  	[tilespmem:v15+s21+$0x0] =	vst.idx.add.f32.msk $0xffff, v2  }
0xbf: {  	[tilespmem:v16+s20+$0x0] =	vst.idx.add.f32.msk $0xffff, v3  }
0xc0: {  	[tilespmem:v17+s21+$0x0] =	vst.idx.add.f32.msk $0xffff, v3  }
0xc1: {  	[tilespmem:v18+s20+$0x0] =	vst.idx.add.f32.msk $0xffff, v4  }
0xc2: {  	[tilespmem:v21+s21+$0x0] =	vst.idx.add.f32.msk $0xffff, v4  }
.LBB2_9:
0xc3: {  	s0 =	sshra.s32 s2, $0x2  }
0xc4: {  	v1 =	vld [tilespmem:s0+$0x0]  }
0xc5: {  	v2 =	vld [tilespmem:s0+$0x800];
	_ =	sdelay $0x1  }
0xc6: {  	v3 =	vld [tilespmem:s0+$0x1000];
	_ =	sdelay $0x1  }
0xc7: {  	v4 =	vld [tilespmem:s0+$0x1800]  }
0xc8: {  	v1 =	vmul.f32 v1, v1;
	v2 =	vmul.f32 v2, v2;
	_ =	sdelay $0x1  }
0xc9: {  	v1 =	vadd.f32 v2, v1;
	v2 =	vmul.f32 v3, v3;
	_ =	sdelay $0x1  }
0xca: {  	v1 =	vadd.f32 v2, v1;
	v2 =	vmul.f32 v4, v4;
	_ =	sdelay $0x1  }
0xcb: {  	v1 =	vadd.f32 v2, v1;
	_ =	sdelay $0x1  }
0xcc: {  	v1 =	vmul.f32 $-1.562500000e-02, v1;
	_ =	sdelay $0x1  }
0xcd: {  	v1 =	vmul.f32 $1.442695020e+00, v1;
	_ =	sdelay $0x1  }
0xce: {  	(erf) = vpow2.f32 v1;
	_ =	sdelay $0x2  }
0xcf: {  	v1 =	vld [tilespmem:s0+$0x2000]  }
0xd0: {  	v2 =	vld [tilespmem:s0+$0x2800];
	_ =	sdelay $0x2  }
0xd1: {  	p0 =	sne.s32 s2, $0x1F00  }
.Ltmp3:
0xd2: {  	_ = 	snop;
	(pc) =	sbr.rel @p0 .LBB2_9-.Ltmp3, $4  }
0xd3: {  	v3 =	vpop (erf)  }
0xd4: {  	[tilespmem:s0+$0x3000] =	vst v3  }
0xd5: {  	[tilespmem:v1+s20+$0x0] =	vst.idx.add.f32.msk $0xffff, v3  }
0xd6: {  	s2 =	sadd.s32 $0x40, s2;
	[tilespmem:v2+s21+$0x0] =	vst.idx.add.f32.msk $0xffff, v3  }
0xd7: {  	s24 =	sadd.s32 $0x1, s24  }
0xd8: {  	p0 =	sne.s32 s24, $0x5  }
.Ltmp4:
0xd9: {  	s0 =	sadd.s32 s9, s25;
	(pc) =	sbr.rel @p0 .LBB2_6-.Ltmp4, $4  }
0xda: {  	[hbm4b:s0+s1] =	stream.linear.scatter [tilespmem:s22], [sflag:$0x1], $0x7D0, $0x38;
	[tilespmem:$0x8800] =	vst v63  }
0xdb: {  	_ =	swait.ge [sflag:s14], $0x7D0  }
0xdc: {  	[sflag:s14] =	ssyncset.done $0x0  }
0xdd: {  	[sflag:s14] =	ssyncadd.s32 $0xFFFFF830  }
0xde: {  	s0 =	rddreg [dreg:$0x2]  }
0xdf: {  	[hbm4b:s0+s1] =	stream.linear.scatter [tilespmem:s20], [sflag:$0x1], $0x2800, $0x38;
	[tilespmem:$0x8800] =	vst v63  }
0xe0: {  	_ =	swait.ge [sflag:s14], $0x2800  }
0xe1: {  	[sflag:s14] =	ssyncset.done $0x0  }
0xe2: {  	s30 =	rddreg [dreg:$0x3];
	[sflag:s14] =	ssyncadd.s32 $0xFFFFD800  }
0xe3: {  	[hbm4b:s30+s1] =	stream.linear.scatter [tilespmem:s21], [sflag:$0x1], $0x2800, $0x38;
	[tilespmem:$0x8800] =	vst v63  }
0xe4: {  	_ =	swait.ge [sflag:s14], $0x2800  }
0xe5: {  	s23 =	sadd.s32 $0x1, s23;
	s31 =	rddreg [dreg:$0x4]  }
0xe6: {  	p0 =	sne.s32 s23, s31  }
.Ltmp5:
0xe7: {  	_ = 	snop;
	(pc) =	sbr.rel @p0 .LBB2_1-.Ltmp5, $3  }
0xe8: {  	_ =	sdelay $0x1  }
0xe9: {  	[sflag:s14] =	ssyncset.done $0x0  }
0xea: {  	[sflag:s14] =	ssyncadd.s32 $0xFFFFD800  }
0xeb: {  	_ =	sfence.sel $0x180000  }
0xec: {  	[bflag:$0x0] =	sbarrier.arrive $0xFFFF  }
0xed: {  	_ =	strace $0x90000047  }
0xee: {  	s0 =	stileid.u32;
	[bflag:$0x2] =	sbarrier.arrive $0xFFFF  }
0xef: {  	p0 =	sne.s32 s0, $0x0;
	s0 =	rddreg [dreg:$0x1]  }
0xf0: {  	s0 =	sadd.s32 @!p0 $0x100000, s0  }
0xf1: {  	[sflag:s0] =	ssyncadd.tile.s32 @!p0 $0x1;
	_ =	shalt  }
.Lfunc_end2:
_tile_overlayer_lowered:
.L_overlay_start_2:
0xf2: {  	(tag) =	ssettag $0x2  }
0xf3: {  	s0 =	rddreg [dreg:$0x0];
	s2 =	stileid.u32  }
0xf4: {  	s1 =	rddreg [dreg:$0x1];
	p0 =	sne.s32 s2, $0x0  }
0xf5: {  	s3 =	rddreg [dreg:$0x2];
	[bflag:$0x3] =	sbarrier.arrive $0xFFFF;
	s2 =	simm.s32 @!p0 $0x1C01  }
0xf6: {  	[timem:s3], [sflag:s2] =	dma.local @!p0 [hbm:s0], s1  }
0xf7: {  	s0 =	simm.s32 @!p0 $0x1  }
0xf8: {  	_ =	swait.ge @!p0 [sflag:s0], s1  }
0xf9: {  	s1 =	ssub.s32 @!p0 $0x0, s1;
	[sflag:s0] =	ssyncset.done @!p0 $0x0  }
0xfa: {  	[sflag:s0] =	ssyncadd.s32 @!p0 s1  }
0xfb: {  	[bflag:$0x3] =	sbarrier.arrive $0xFFFF  }
0xfc: {  	_ =	shalt  }

</sc_bundles>
